<compile_context>
chip_gen: v7x
topology: tpu7x:2x2x1
jax: 0.10.2.dev20260603
libtpu: 0.0.44.dev20260713+nightly
codegen_flags: <defaults>
</compile_context>

<pallas_src>
import functools

import jax
import jax.numpy as jnp
from jax import lax
from jax.experimental import pallas as pl
from jax.experimental.pallas import tpu as pltpu
from jax.experimental.pallas import tpu_sc as plsc

_B = 1024
_H = 50
_PAD = 100000
_CW = 128
_NC = 2
_NS = 16
_NW = _NC * _NS
_PERW = _B * _H // _NW
_CH = 100
_NCH = _PERW // _CH
_UPW = _B // _NW



_BM = 2048


def _proj_body(a_ref, itm_ref, w_ref, b_ref, o_ref):
    i = pl.program_id(0)
    t = jnp.tanh(jnp.dot(a_ref[...], w_ref[...], preferred_element_type=jnp.float32)
                 + b_ref[...])
    rid = i * _BM + lax.broadcasted_iota(jnp.int32, (_BM, 1), 0)
    t = jnp.where(rid == _PAD, 0.0, t)
    z = jnp.zeros((_BM, _CW - 80), jnp.float32)
    o_ref[...] = jnp.concatenate([t, itm_ref[...], z], axis=1)


def _build_table(genome, item_table, w_t, bias):
    m, k = genome.shape
    grid = (m + _BM - 1) // _BM
    return pl.pallas_call(
        _proj_body,
        grid=(grid,),
        in_specs=[
            pl.BlockSpec((_BM, k), lambda i: (i, 0)),
            pl.BlockSpec((_BM, 40), lambda i: (i, 0)),
            pl.BlockSpec((k, 40), lambda i: (0, 0)),
            pl.BlockSpec((1, 40), lambda i: (0, 0)),
        ],
        out_specs=pl.BlockSpec((_BM, _CW), lambda i: (i, 0)),
        out_shape=jax.ShapeDtypeStruct((m, _CW), jnp.float32),
    )(genome, item_table, w_t, bias)




def _sc_body(idx_hbm, tgt_hbm, rat_hbm, tab_hbm, outp_hbm, outt_hbm,
             idx_v, wv_v, row_a, row_b, out_v, tgt_v, trow_v, sema, semb):
    c = lax.axis_index("c")
    s = lax.axis_index("s")
    w = s * _NC + c
    pltpu.sync_copy(idx_hbm.at[w], idx_v)
    pltpu.sync_copy(rat_hbm.at[w], wv_v)

    def pool(j, buf):
        for u in range(2):
            def hloop(h, accs):
                wvec = wv_v[pl.ds((j * _CH + u * _H + h) * 16, 16)]
                row = u * _H + h
                return tuple(accs[ss] + wvec * buf[row, pl.ds(16 * ss, 16)]
                             for ss in range(8))

            accs = lax.fori_loop(
                0, _H, hloop,
                tuple(jnp.zeros((16,), jnp.float32) for _ in range(8)))
            for ss in range(8):
                out_v[j * 2 + u, pl.ds(16 * ss, 16)] = accs[ss]

    pltpu.async_copy(tab_hbm.at[idx_v.at[0]], row_a, sema)
    pltpu.async_copy(tab_hbm.at[idx_v.at[1]], row_b, semb)

    def pair(p, carry):
        ca = 2 * p
        cb = 2 * p + 1
        pltpu.make_async_copy(tab_hbm.at[idx_v.at[ca]], row_a, sema).wait()
        pool(ca, row_a)

        @pl.when(p < _NCH // 2 - 1)
        def _():
            pltpu.async_copy(tab_hbm.at[idx_v.at[ca + 2]], row_a, sema)

        pltpu.make_async_copy(tab_hbm.at[idx_v.at[cb]], row_b, semb).wait()
        pool(cb, row_b)

        @pl.when(p < _NCH // 2 - 1)
        def _():
            pltpu.async_copy(tab_hbm.at[idx_v.at[cb + 2]], row_b, semb)

        return carry

    lax.fori_loop(0, _NCH // 2, pair, 0)
    pltpu.sync_copy(out_v, outp_hbm.at[pl.ds(w * _UPW, _UPW)])

    pltpu.sync_copy(tgt_hbm.at[w], tgt_v)
    pltpu.async_copy(tab_hbm.at[tgt_v], trow_v, sema).wait()
    pltpu.sync_copy(trow_v, outt_hbm.at[pl.ds(w * _UPW, _UPW)])


def _sc_gather_pool(idx3, tgt2, rat2, tab):
    fn = functools.partial(
        pl.kernel,
        out_type=[
            jax.ShapeDtypeStruct((_B, _CW), jnp.float32),
            jax.ShapeDtypeStruct((_B, _CW), jnp.float32),
        ],
        mesh=plsc.VectorSubcoreMesh(core_axis_name="c", subcore_axis_name="s"),
        scratch_types=[
            pltpu.VMEM((_NCH, _CH), jnp.int32),
            pltpu.VMEM((_PERW * 16,), jnp.float32),
            pltpu.VMEM((_CH, _CW), jnp.float32),
            pltpu.VMEM((_CH, _CW), jnp.float32),
            pltpu.VMEM((_UPW, _CW), jnp.float32),
            pltpu.VMEM((_UPW,), jnp.int32),
            pltpu.VMEM((_UPW, _CW), jnp.float32),
            pltpu.SemaphoreType.DMA,
            pltpu.SemaphoreType.DMA,
        ],
    )(_sc_body)
    return fn(idx3, tgt2, rat2, tab)



_BB = 128


def _combine_body(p_ref, hidx_ref, rat_ref, ugc_ref, ts_ref, yr_ref,
                  mg_ref, mt_ref, mgt_ref, tg_ref,
                  wug_ref, bug_ref, tst_ref, wts_ref, bts_ref,
                  yrt_ref, wyr_ref, byr_ref,
                  wig_ref, big_ref, wit_ref, bit_ref,
                  wgn_ref, bgn_ref, wie_ref, bie_ref, o_ref):
    f32 = jnp.float32
    wgt = rat_ref[...] * (hidx_ref[...] != _PAD).astype(f32)
    ws = jnp.clip(jnp.sum(jnp.abs(wgt), axis=1, keepdims=True), 1e-6, None)
    pooled = p_ref[...] / ws
    gen = pooled[:, :35]
    hist = pooled[:, 40:80]

    dot = lambda a, b: jnp.dot(a, b, preferred_element_type=f32)
    genre = jnp.tanh(dot(ugc_ref[...], wug_ref[...]) + bug_ref[...])
    ts_oh = (lax.broadcasted_iota(jnp.int32, (_BB, 100), 1) == ts_ref[...]).astype(f32)
    tse = jnp.tanh(dot(dot(ts_oh, tst_ref[...]), wts_ref[...]) + bts_ref[...])
    yr_oh = (lax.broadcasted_iota(jnp.int32, (_BB, 120), 1) == yr_ref[...]).astype(f32)
    yre = jnp.tanh(dot(dot(yr_oh, yrt_ref[...]), wyr_ref[...]) + byr_ref[...])

    ig = jnp.tanh(dot(mg_ref[...], wig_ref[...]) + big_ref[...])
    it = jnp.tanh(dot(mt_ref[...], wit_ref[...]) + bit_ref[...])
    ign = jnp.tanh(dot(mgt_ref[...], wgn_ref[...]) + bgn_ref[...])
    ie = jnp.tanh(dot(tg_ref[...][:, 40:80], wie_ref[...]) + bie_ref[...])

    u = jnp.concatenate([hist, gen, genre, tse], axis=1)
    v = jnp.concatenate([ig, it, ign, ie, yre], axis=1)
    o_ref[...] = jnp.sum(u * v, axis=1, keepdims=True)


def _combine(pooled, hidx, rat, ugc, ts2, yr2, mg, mt, mgt, tgt_rows, consts):
    grid = _B // _BB
    row = lambda i: (i, 0)
    rep = lambda i: (0, 0)
    in_specs = [
        pl.BlockSpec((_BB, _CW), row),
        pl.BlockSpec((_BB, _H), row),
        pl.BlockSpec((_BB, _H), row),
        pl.BlockSpec((_BB, 20), row),
        pl.BlockSpec((_BB, 1), row),
        pl.BlockSpec((_BB, 1), row),
        pl.BlockSpec((_BB, 20), row),
        pl.BlockSpec((_BB, 1000), row),
        pl.BlockSpec((_BB, 1128), row),
        pl.BlockSpec((_BB, _CW), row),
    ] + [pl.BlockSpec(c.shape, rep) for c in consts]
    return pl.pallas_call(
        _combine_body,
        grid=(grid,),
        in_specs=in_specs,
        out_specs=pl.BlockSpec((_BB, 1), row),
        out_shape=jax.ShapeDtypeStruct((_B, 1), jnp.float32),
    )(pooled, hidx, rat, ugc, ts2, yr2, mg, mt, mgt, tgt_rows, *consts)




def kernel(user_genre_contexts, user_watch_history, user_watch_history_ratings,
           timestamps, movie_genres, movie_tags, movie_genome_tags, years,
           target_movieId, genome_context_buffer, item_table, Wie, bie, Wig, big,
           Wit, bit, Wgn, bgn, year_table, Wyr, byr, Wug, bug, ts_table, Wts, bts):
    f32 = jnp.float32
    wgn_t_pad = jnp.zeros((Wgn.shape[1], 40), f32).at[:, :35].set(Wgn.T)
    bgn_pad = jnp.zeros((1, 40), f32).at[0, :35].set(bgn)
    tab = _build_table(genome_context_buffer, item_table, wgn_t_pad, bgn_pad)

    idx = user_watch_history.astype(jnp.int32)
    idx3 = idx.reshape(_NW, _NCH, _CH)
    tgt2 = target_movieId.astype(jnp.int32).reshape(_NW, _UPW)
    rat2 = jnp.broadcast_to(user_watch_history_ratings.reshape(_B * _H, 1),
                            (_B * _H, 16)).reshape(_NW, _PERW * 16)
    pooled, tgtg = _sc_gather_pool(idx3, tgt2, rat2, tab)

    consts = [
        Wug.T, bug.reshape(1, -1), ts_table, Wts.T, bts.reshape(1, -1),
        year_table, Wyr.T, byr.reshape(1, -1),
        Wig.T, big.reshape(1, -1), Wit.T, bit.reshape(1, -1),
        Wgn.T, bgn.reshape(1, -1), Wie.T, bie.reshape(1, -1),
    ]
    out = _combine(pooled, idx, user_watch_history_ratings, user_genre_contexts,
                   timestamps.astype(jnp.int32).reshape(_B, 1),
                   years.astype(jnp.int32).reshape(_B, 1),
                   movie_genres, movie_tags, movie_genome_tags, tgtg, consts)
    return out.reshape(_B)

# --- scband reference (transcript-rebuilt; emitter-appended) ---
"""Pipeline reference for scband-movie-recommender-1151051235972 (READ-ONLY COPY).

The authoritative reference and input builder live on the scoring server;
editing this copy changes nothing except your own understanding.
"""

import jax, jax.numpy as jnp
import numpy as np

B = 1024; H = 50
GENRES = 20; TAGS = 1000; GENOME = 1128
TOP = 100000; YEARS = 120; TS_BINS = 100; UCTX = 20
D_MID = 40; D_IGEN = 20; D_ITAG = 15; D_GNM = 35; D_YR = 10; D_UG = 35; D_TS = 10
PAD = TOP

def _xavier(key, shape, gain=0.01):
    fan_in, fan_out = shape[1], shape[0]
    a = gain * float(np.sqrt(6.0 / (fan_in + fan_out)))
    return jax.random.uniform(key, shape, jnp.float32, -a, a)

def setup_inputs(seed: int = 0):
    key = jax.random.key(seed)
    k = lambda i: jax.random.fold_in(key, i)
    inp = {}
    inp["user_genre_contexts"] = jax.random.normal(k(0), (B, UCTX), jnp.float32)
    inp["user_watch_history"] = jax.random.randint(k(1), (B, H), 0, TOP + 1)
    inp["user_watch_history_ratings"] = jax.random.uniform(k(2), (B, H), jnp.float32)
    inp["timestamps"] = jax.random.randint(k(3), (B,), 0, TS_BINS)
    inp["movie_genres"] = jax.random.normal(k(4), (B, GENRES), jnp.float32)
    inp["movie_tags"] = jax.random.normal(k(5), (B, TAGS), jnp.float32)
    inp["movie_genome_tags"] = jax.random.normal(k(6), (B, GENOME), jnp.float32)
    inp["years"] = jax.random.randint(k(7), (B,), 0, YEARS)
    inp["target_movieId"] = jax.random.randint(k(8), (B,), 0, TOP)
    inp["genome_context_buffer"] = jax.random.uniform(k(9), (TOP + 1, GENOME), jnp.float32).at[PAD].set(0.0)
    inp["item_table"] = _xavier(k(10), (TOP + 1, D_MID)).at[PAD].set(0.0)
    inp["Wie"] = _xavier(k(11), (D_MID, D_MID)); inp["bie"] = jnp.zeros((D_MID,), jnp.float32)
    inp["Wig"] = _xavier(k(12), (D_IGEN, GENRES)); inp["big"] = jnp.zeros((D_IGEN,), jnp.float32)
    inp["Wit"] = _xavier(k(13), (D_ITAG, TAGS)); inp["bit"] = jnp.zeros((D_ITAG,), jnp.float32)
    inp["Wgn"] = _xavier(k(14), (D_GNM, GENOME)); inp["bgn"] = jnp.zeros((D_GNM,), jnp.float32)
    inp["year_table"] = _xavier(k(15), (YEARS, D_YR))
    inp["Wyr"] = _xavier(k(16), (D_YR, D_YR)); inp["byr"] = jnp.zeros((D_YR,), jnp.float32)
    inp["Wug"] = _xavier(k(17), (D_UG, UCTX)); inp["bug"] = jnp.zeros((D_UG,), jnp.float32)
    inp["ts_table"] = _xavier(k(18), (TS_BINS, D_TS))
    inp["Wts"] = _xavier(k(19), (D_TS, D_TS)); inp["bts"] = jnp.zeros((D_TS,), jnp.float32)
    return inp

def _forward(user_genre_contexts, user_watch_history, user_watch_history_ratings, timestamps, movie_genres, movie_tags, movie_genome_tags, years, target_movieId, genome_context_buffer, item_table, Wie, bie, Wig, big, Wit, bit, Wgn, bgn, year_table, Wyr, byr, Wug, bug, ts_table, Wts, bts):
    history_embs = jnp.take(item_table, user_watch_history, axis=0)
    pad_mask = (user_watch_history != PAD).astype(jnp.float32)[..., None]
    rating_weights = user_watch_history_ratings[..., None] * pad_mask
    weight_sum = jnp.clip(jnp.abs(rating_weights).sum(axis=1), 1e-6, None)
    history_emb = (history_embs * rating_weights).sum(axis=1) / weight_sum
    watched_genome = jnp.take(genome_context_buffer, user_watch_history, axis=0)
    genome_embs = jnp.tanh(watched_genome @ Wgn.T + bgn)
    genome_emb = (genome_embs * rating_weights).sum(axis=1) / weight_sum
    genre_emb = jnp.tanh(user_genre_contexts @ Wug.T + bug)
    ts_emb = jnp.tanh(jnp.take(ts_table, timestamps, axis=0) @ Wts.T + bts)
    user_combined = jnp.concatenate([history_emb, genome_emb, genre_emb, ts_emb], axis=1)
    item_genre_emb = jnp.tanh(movie_genres @ Wig.T + big)
    item_tag_emb = jnp.tanh(movie_tags @ Wit.T + bit)
    item_genome_emb = jnp.tanh(movie_genome_tags @ Wgn.T + bgn)
    item_emb = jnp.tanh(jnp.take(item_table, target_movieId, axis=0) @ Wie.T + bie)
    year_emb = jnp.tanh(jnp.take(year_table, years, axis=0) @ Wyr.T + byr)
    item_combined = jnp.concatenate([item_genre_emb, item_tag_emb, item_genome_emb, item_emb, year_emb], axis=1)
    return jnp.einsum('ij,ij->i', user_combined, item_combined)

def reference(user_genre_contexts, user_watch_history, user_watch_history_ratings, timestamps, movie_genres, movie_tags, movie_genome_tags, years, target_movieId, genome_context_buffer, item_table, Wie, bie, Wig, big, Wit, bit, Wgn, bgn, year_table, Wyr, byr, Wug, bug, ts_table, Wts, bts):
    return _forward(user_genre_contexts, user_watch_history, user_watch_history_ratings, timestamps, movie_genres, movie_tags, movie_genome_tags, years, target_movieId, genome_context_buffer, item_table, Wie, bie, Wig, big, Wit, bit, Wgn, bgn, year_table, Wyr, byr, Wug, bug, ts_table, Wts, bts)

if __name__ == "__main__":
    import jax
    _d = setup_inputs()
    print(jax.jit(kernel)(*tuple(_d.values())))

</pallas_src>

<mosaic_0001>
#map = affine_map<(d0, d1) -> (0, 0, 0)>
#map1 = affine_map<(d0, d1) -> (0, 0)>
module attributes {stable_mosaic.version = 14 : i64} {
  func.func @_sc_body(%arg0: i32, %arg1: i32, %arg2: memref<32x16x100xi32, #tpu.memory_space<hbm>>, %arg3: memref<32x32xi32, #tpu.memory_space<hbm>>, %arg4: memref<32x25600xf32, #tpu.memory_space<hbm>>, %arg5: memref<100001x128xf32, #tpu.memory_space<hbm>>, %arg6: memref<1024x128xf32, #tpu.memory_space<hbm>>, %arg7: memref<1024x128xf32, #tpu.memory_space<hbm>>, %arg8: memref<16x100xi32, #tpu.memory_space<vmem>>, %arg9: memref<25600xf32, #tpu.memory_space<vmem>>, %arg10: memref<100x128xf32, #tpu.memory_space<vmem>>, %arg11: memref<100x128xf32, #tpu.memory_space<vmem>>, %arg12: memref<32x128xf32, #tpu.memory_space<vmem>>, %arg13: memref<32xi32, #tpu.memory_space<vmem>>, %arg14: memref<32x128xf32, #tpu.memory_space<vmem>>, %arg15: memref<!tpu.dma_semaphore, #tpu.memory_space<semaphore_mem>>, %arg16: memref<!tpu.dma_semaphore, #tpu.memory_space<semaphore_mem>>) attributes {dimension_semantics = [#tpu.dimension_semantics<core_parallel>, #tpu.dimension_semantics<subcore_parallel>], iteration_bounds = array<i64: 2, 16>, scalar_prefetch = 0 : i64, scratch_operands = 9 : i64, tpu.core_type = #tpu.core_type<sc_vector_subcore>, window_params = [{transform_indices = #map}, {transform_indices = #map1}, {transform_indices = #map1}, {transform_indices = #map1}, {transform_indices = #map1}, {transform_indices = #map1}]} {
    %mul3A = arith.constant 2 : i32
    %mul3A_0 = arith.muli %arg1, %mul3A : i32
    %add3A = arith.addi %mul3A_0, %arg0 : i32
    "tpu.region"() ({
      %run_scoped3A = tpu.sem_alloc : memref<!tpu.dma_semaphore, #tpu.memory_space<semaphore_mem>>
      %dma_start3A_28 = arith.constant 0 : i32
      %dma_start3A_29 = arith.constant 0 : i32
      %dma_start3A_30 = tpu.memref_slice %arg2[%add3A, %dma_start3A_28, %dma_start3A_29] : memref<32x16x100xi32, #tpu.memory_space<hbm>> -> memref<1x16x100xi32, #tpu.memory_space<hbm>>
      %dma_start3A_31 = tpu.memref_squeeze %dma_start3A_30 : memref<1x16x100xi32, #tpu.memory_space<hbm>> -> memref<16x100xi32, #tpu.memory_space<hbm>>
      %dma_start3A_32 = arith.constant 0 : i32
      %dma_start3A_33 = arith.constant 0 : i32
      %dma_start3A_34 = tpu.memref_slice %arg2[%add3A, %dma_start3A_32, %dma_start3A_33] : memref<32x16x100xi32, #tpu.memory_space<hbm>> -> memref<1x16x100xi32, #tpu.memory_space<hbm>>
      %dma_start3A_35 = tpu.memref_squeeze %dma_start3A_34 : memref<1x16x100xi32, #tpu.memory_space<hbm>> -> memref<16x100xi32, #tpu.memory_space<hbm>>
      tpu.enqueue_dma source(%dma_start3A_35 : memref<16x100xi32, #tpu.memory_space<hbm>>) target(%arg8 : memref<16x100xi32, #tpu.memory_space<vmem>>) target_semaphore(%run_scoped3A : memref<!tpu.dma_semaphore, #tpu.memory_space<semaphore_mem>>)
      %dma_wait3A_36 = arith.constant 0 : i32
      %dma_wait3A_37 = arith.constant 0 : i32
      %dma_wait3A_38 = tpu.memref_slice %arg2[%add3A, %dma_wait3A_36, %dma_wait3A_37] : memref<32x16x100xi32, #tpu.memory_space<hbm>> -> memref<1x16x100xi32, #tpu.memory_space<hbm>>
      %dma_wait3A_39 = tpu.memref_squeeze %dma_wait3A_38 : memref<1x16x100xi32, #tpu.memory_space<hbm>> -> memref<16x100xi32, #tpu.memory_space<hbm>>
      %dma_wait3A_40 = arith.constant 0 : i32
      %dma_wait3A_41 = arith.constant 0 : i32
      %dma_wait3A_42 = tpu.memref_slice %arg2[%add3A, %dma_wait3A_40, %dma_wait3A_41] : memref<32x16x100xi32, #tpu.memory_space<hbm>> -> memref<1x16x100xi32, #tpu.memory_space<hbm>>
      %dma_wait3A_43 = tpu.memref_squeeze %dma_wait3A_42 : memref<1x16x100xi32, #tpu.memory_space<hbm>> -> memref<16x100xi32, #tpu.memory_space<hbm>>
      tpu.wait_dma2 semaphore(%run_scoped3A : memref<!tpu.dma_semaphore, #tpu.memory_space<semaphore_mem>>) src(%dma_wait3A_43 : memref<16x100xi32, #tpu.memory_space<hbm>>) dst(%arg8 : memref<16x100xi32, #tpu.memory_space<vmem>>)
      tpu.yield
    }) : () -> ()
    "tpu.region"() ({
      %run_scoped3A = tpu.sem_alloc : memref<!tpu.dma_semaphore, #tpu.memory_space<semaphore_mem>>
      %dma_start3A_28 = arith.constant 0 : i32
      %dma_start3A_29 = tpu.memref_slice %arg4[%add3A, %dma_start3A_28] : memref<32x25600xf32, #tpu.memory_space<hbm>> -> memref<1x25600xf32, #tpu.memory_space<hbm>>
      %dma_start3A_30 = tpu.memref_squeeze %dma_start3A_29 : memref<1x25600xf32, #tpu.memory_space<hbm>> -> memref<25600xf32, #tpu.memory_space<hbm>>
      %dma_start3A_31 = arith.constant 0 : i32
      %dma_start3A_32 = tpu.memref_slice %arg4[%add3A, %dma_start3A_31] : memref<32x25600xf32, #tpu.memory_space<hbm>> -> memref<1x25600xf32, #tpu.memory_space<hbm>>
      %dma_start3A_33 = tpu.memref_squeeze %dma_start3A_32 : memref<1x25600xf32, #tpu.memory_space<hbm>> -> memref<25600xf32, #tpu.memory_space<hbm>>
      tpu.enqueue_dma source(%dma_start3A_33 : memref<25600xf32, #tpu.memory_space<hbm>>) target(%arg9 : memref<25600xf32, #tpu.memory_space<vmem>>) target_semaphore(%run_scoped3A : memref<!tpu.dma_semaphore, #tpu.memory_space<semaphore_mem>>)
      %dma_wait3A_34 = arith.constant 0 : i32
      %dma_wait3A_35 = tpu.memref_slice %arg4[%add3A, %dma_wait3A_34] : memref<32x25600xf32, #tpu.memory_space<hbm>> -> memref<1x25600xf32, #tpu.memory_space<hbm>>
      %dma_wait3A_36 = tpu.memref_squeeze %dma_wait3A_35 : memref<1x25600xf32, #tpu.memory_space<hbm>> -> memref<25600xf32, #tpu.memory_space<hbm>>
      %dma_wait3A_37 = arith.constant 0 : i32
      %dma_wait3A_38 = tpu.memref_slice %arg4[%add3A, %dma_wait3A_37] : memref<32x25600xf32, #tpu.memory_space<hbm>> -> memref<1x25600xf32, #tpu.memory_space<hbm>>
      %dma_wait3A_39 = tpu.memref_squeeze %dma_wait3A_38 : memref<1x25600xf32, #tpu.memory_space<hbm>> -> memref<25600xf32, #tpu.memory_space<hbm>>
      tpu.wait_dma2 semaphore(%run_scoped3A : memref<!tpu.dma_semaphore, #tpu.memory_space<semaphore_mem>>) src(%dma_wait3A_39 : memref<25600xf32, #tpu.memory_space<hbm>>) dst(%arg9 : memref<25600xf32, #tpu.memory_space<vmem>>)
      tpu.yield
    }) : () -> ()
    %dma_start3A = arith.constant 0 : i32
    %dma_start3A_1 = arith.constant 0 : i32
    %dma_start3A_2 = tpu.memref_slice %arg8[%dma_start3A, %dma_start3A_1] : memref<16x100xi32, #tpu.memory_space<vmem>> -> memref<1x100xi32, #tpu.memory_space<vmem>>
    %dma_start3A_3 = tpu.memref_squeeze %dma_start3A_2 : memref<1x100xi32, #tpu.memory_space<vmem>> -> memref<100xi32, #tpu.memory_space<vmem>>
    %dma_start3A_4 = arith.constant 0 : i32
    %dma_start3A_5 = arith.constant 0 : i32
    %dma_start3A_6 = tpu.memref_slice %arg5[%dma_start3A_4, %dma_start3A_5] : memref<100001x128xf32, #tpu.memory_space<hbm>> -> memref<100001x128xf32, #tpu.memory_space<hbm>>
    tpu.enqueue_indirect_dma source(%dma_start3A_6 : memref<100001x128xf32, #tpu.memory_space<hbm>>) target(%arg10 : memref<100x128xf32, #tpu.memory_space<vmem>>) offsets(%dma_start3A_3 : memref<100xi32, #tpu.memory_space<vmem>>) semaphore(%arg15 : memref<!tpu.dma_semaphore, #tpu.memory_space<semaphore_mem>>)
    %dma_start3A_7 = arith.constant 1 : i32
    %dma_start3A_8 = arith.constant 0 : i32
    %dma_start3A_9 = tpu.memref_slice %arg8[%dma_start3A_7, %dma_start3A_8] : memref<16x100xi32, #tpu.memory_space<vmem>> -> memref<1x100xi32, #tpu.memory_space<vmem>>
    %dma_start3A_10 = tpu.memref_squeeze %dma_start3A_9 : memref<1x100xi32, #tpu.memory_space<vmem>> -> memref<100xi32, #tpu.memory_space<vmem>>
    %dma_start3A_11 = arith.constant 0 : i32
    %dma_start3A_12 = arith.constant 0 : i32
    %dma_start3A_13 = tpu.memref_slice %arg5[%dma_start3A_11, %dma_start3A_12] : memref<100001x128xf32, #tpu.memory_space<hbm>> -> memref<100001x128xf32, #tpu.memory_space<hbm>>
    tpu.enqueue_indirect_dma source(%dma_start3A_13 : memref<100001x128xf32, #tpu.memory_space<hbm>>) target(%arg11 : memref<100x128xf32, #tpu.memory_space<vmem>>) offsets(%dma_start3A_10 : memref<100xi32, #tpu.memory_space<vmem>>) semaphore(%arg16 : memref<!tpu.dma_semaphore, #tpu.memory_space<semaphore_mem>>)
    %scan3A = arith.constant 0 : i32
    %scan3A_14 = arith.constant 0 : i32
    %scan3A_15 = arith.constant 8 : i32
    %scan3A_16 = arith.addi %scan3A_14, %scan3A_15 : i32
    %scan3A_17 = arith.constant 1 : i32
    scf.for %scan3A_28 = %scan3A_14 to %scan3A_16 step %scan3A_17  : i32 {
      %mul3A_29 = arith.constant 2 : i32
      %mul3A_30 = arith.muli %mul3A_29, %scan3A_28 : i32
      %mul3A_31 = arith.constant 2 : i32
      %mul3A_32 = arith.muli %mul3A_31, %scan3A_28 : i32
      %add3A_33 = arith.constant 1 : i32
      %add3A_34 = arith.addi %mul3A_32, %add3A_33 : i32
      %dma_wait3A_35 = arith.constant 0 : i32
      %dma_wait3A_36 = tpu.memref_slice %arg8[%mul3A_30, %dma_wait3A_35] : memref<16x100xi32, #tpu.memory_space<vmem>> -> memref<1x100xi32, #tpu.memory_space<vmem>>
      %dma_wait3A_37 = tpu.memref_squeeze %dma_wait3A_36 : memref<1x100xi32, #tpu.memory_space<vmem>> -> memref<100xi32, #tpu.memory_space<vmem>>
      %dma_wait3A_38 = arith.constant 0 : i32
      %dma_wait3A_39 = arith.constant 0 : i32
      %dma_wait3A_40 = tpu.memref_slice %arg5[%dma_wait3A_38, %dma_wait3A_39] : memref<100001x128xf32, #tpu.memory_space<hbm>> -> memref<100001x128xf32, #tpu.memory_space<hbm>>
      tpu.wait_indirect_dma semaphore(%arg15 : memref<!tpu.dma_semaphore, #tpu.memory_space<semaphore_mem>>) src(%dma_wait3A_40 : memref<100001x128xf32, #tpu.memory_space<hbm>>) dst(%arg10 : memref<100x128xf32, #tpu.memory_space<vmem>>)
      %broadcast_in_dim3A = arith.constant 0.000000e+00 : f32
      %broadcast_in_dim3A_41 = vector.broadcast %broadcast_in_dim3A : f32 to vector<16xf32>
      %broadcast_in_dim3A_42 = arith.constant 0.000000e+00 : f32
      %broadcast_in_dim3A_43 = vector.broadcast %broadcast_in_dim3A_42 : f32 to vector<16xf32>
      %broadcast_in_dim3A_44 = arith.constant 0.000000e+00 : f32
      %broadcast_in_dim3A_45 = vector.broadcast %broadcast_in_dim3A_44 : f32 to vector<16xf32>
      %broadcast_in_dim3A_46 = arith.constant 0.000000e+00 : f32
      %broadcast_in_dim3A_47 = vector.broadcast %broadcast_in_dim3A_46 : f32 to vector<16xf32>
      %broadcast_in_dim3A_48 = arith.constant 0.000000e+00 : f32
      %broadcast_in_dim3A_49 = vector.broadcast %broadcast_in_dim3A_48 : f32 to vector<16xf32>
      %broadcast_in_dim3A_50 = arith.constant 0.000000e+00 : f32
      %broadcast_in_dim3A_51 = vector.broadcast %broadcast_in_dim3A_50 : f32 to vector<16xf32>
      %broadcast_in_dim3A_52 = arith.constant 0.000000e+00 : f32
      %broadcast_in_dim3A_53 = vector.broadcast %broadcast_in_dim3A_52 : f32 to vector<16xf32>
      %broadcast_in_dim3A_54 = arith.constant 0.000000e+00 : f32
      %broadcast_in_dim3A_55 = vector.broadcast %broadcast_in_dim3A_54 : f32 to vector<16xf32>
      %scan3A_56 = arith.constant 0 : i32
      %scan3A_57 = arith.constant 50 : i32
      %scan3A_58 = arith.addi %scan3A_56, %scan3A_57 : i32
      %scan3A_59 = arith.constant 1 : i32
      %scan3A_60:8 = scf.for %scan3A_428 = %scan3A_56 to %scan3A_58 step %scan3A_59 iter_args(%scan3A_429 = %broadcast_in_dim3A_41, %scan3A_430 = %broadcast_in_dim3A_43, %scan3A_431 = %broadcast_in_dim3A_45, %scan3A_432 = %broadcast_in_dim3A_47, %scan3A_433 = %broadcast_in_dim3A_49, %scan3A_434 = %broadcast_in_dim3A_51, %scan3A_435 = %broadcast_in_dim3A_53, %scan3A_436 = %broadcast_in_dim3A_55) -> (vector<16xf32>, vector<16xf32>, vector<16xf32>, vector<16xf32>, vector<16xf32>, vector<16xf32>, vector<16xf32>, vector<16xf32>)  : i32 {
        %mul3A_437 = arith.constant 100 : i32
        %mul3A_438 = arith.muli %mul3A_30, %mul3A_437 : i32
        %add3A_439 = arith.constant 0 : i32
        %add3A_440 = arith.addi %mul3A_438, %add3A_439 : i32
        %add3A_441 = arith.addi %add3A_440, %scan3A_428 : i32
        %mul3A_442 = arith.constant 16 : i32
        %mul3A_443 = arith.muli %add3A_441, %mul3A_442 : i32
        %get3A = arith.index_cast %mul3A_443 : i32 to index
        %get3A_444 = tpu.vector_load %arg9[%get3A] {strides = array<i32>} : memref<25600xf32, #tpu.memory_space<vmem>>, vector<16xf32>,
        %get3A_445 = vector.shape_cast %get3A_444 : vector<16xf32> to vector<16xf32>
        %add3A_446 = arith.constant 0 : i32
        %add3A_447 = arith.addi %add3A_446, %scan3A_428 : i32
        %get3A_448 = arith.index_cast %add3A_447 : i32 to index
        %get3A_449 = arith.constant 0 : index
        %get3A_450 = tpu.vector_load %arg10[%get3A_448, %get3A_449] {strides = array<i32>} : memref<100x128xf32, #tpu.memory_space<vmem>>, vector<1x16xf32>,
        %get3A_451 = vector.shape_cast %get3A_450 : vector<1x16xf32> to vector<16xf32>
        %mul3A_452 = arith.mulf %get3A_445, %get3A_451 : vector<16xf32>
        %add3A_453 = arith.addf %scan3A_429, %mul3A_452 : vector<16xf32>
        %get3A_454 = arith.index_cast %add3A_447 : i32 to index
        %get3A_455 = arith.constant 16 : index
        %get3A_456 = tpu.vector_load %arg10[%get3A_454, %get3A_455] {strides = array<i32>} : memref<100x128xf32, #tpu.memory_space<vmem>>, vector<1x16xf32>,
        %get3A_457 = vector.shape_cast %get3A_456 : vector<1x16xf32> to vector<16xf32>
        %mul3A_458 = arith.mulf %get3A_445, %get3A_457 : vector<16xf32>
        %add3A_459 = arith.addf %scan3A_430, %mul3A_458 : vector<16xf32>
        %get3A_460 = arith.index_cast %add3A_447 : i32 to index
        %get3A_461 = arith.constant 32 : index
        %get3A_462 = tpu.vector_load %arg10[%get3A_460, %get3A_461] {strides = array<i32>} : memref<100x128xf32, #tpu.memory_space<vmem>>, vector<1x16xf32>,
        %get3A_463 = vector.shape_cast %get3A_462 : vector<1x16xf32> to vector<16xf32>
        %mul3A_464 = arith.mulf %get3A_445, %get3A_463 : vector<16xf32>
        %add3A_465 = arith.addf %scan3A_431, %mul3A_464 : vector<16xf32>
        %get3A_466 = arith.index_cast %add3A_447 : i32 to index
        %get3A_467 = arith.constant 48 : index
        %get3A_468 = tpu.vector_load %arg10[%get3A_466, %get3A_467] {strides = array<i32>} : memref<100x128xf32, #tpu.memory_space<vmem>>, vector<1x16xf32>,
        %get3A_469 = vector.shape_cast %get3A_468 : vector<1x16xf32> to vector<16xf32>
        %mul3A_470 = arith.mulf %get3A_445, %get3A_469 : vector<16xf32>
        %add3A_471 = arith.addf %scan3A_432, %mul3A_470 : vector<16xf32>
        %get3A_472 = arith.index_cast %add3A_447 : i32 to index
        %get3A_473 = arith.constant 64 : index
        %get3A_474 = tpu.vector_load %arg10[%get3A_472, %get3A_473] {strides = array<i32>} : memref<100x128xf32, #tpu.memory_space<vmem>>, vector<1x16xf32>,
        %get3A_475 = vector.shape_cast %get3A_474 : vector<1x16xf32> to vector<16xf32>
        %mul3A_476 = arith.mulf %get3A_445, %get3A_475 : vector<16xf32>
        %add3A_477 = arith.addf %scan3A_433, %mul3A_476 : vector<16xf32>
        %get3A_478 = arith.index_cast %add3A_447 : i32 to index
        %get3A_479 = arith.constant 80 : index
        %get3A_480 = tpu.vector_load %arg10[%get3A_478, %get3A_479] {strides = array<i32>} : memref<100x128xf32, #tpu.memory_space<vmem>>, vector<1x16xf32>,
        %get3A_481 = vector.shape_cast %get3A_480 : vector<1x16xf32> to vector<16xf32>
        %mul3A_482 = arith.mulf %get3A_445, %get3A_481 : vector<16xf32>
        %add3A_483 = arith.addf %scan3A_434, %mul3A_482 : vector<16xf32>
        %get3A_484 = arith.index_cast %add3A_447 : i32 to index
        %get3A_485 = arith.constant 96 : index
        %get3A_486 = tpu.vector_load %arg10[%get3A_484, %get3A_485] {strides = array<i32>} : memref<100x128xf32, #tpu.memory_space<vmem>>, vector<1x16xf32>,
        %get3A_487 = vector.shape_cast %get3A_486 : vector<1x16xf32> to vector<16xf32>
        %mul3A_488 = arith.mulf %get3A_445, %get3A_487 : vector<16xf32>
        %add3A_489 = arith.addf %scan3A_435, %mul3A_488 : vector<16xf32>
        %get3A_490 = arith.index_cast %add3A_447 : i32 to index
        %get3A_491 = arith.constant 112 : index
        %get3A_492 = tpu.vector_load %arg10[%get3A_490, %get3A_491] {strides = array<i32>} : memref<100x128xf32, #tpu.memory_space<vmem>>, vector<1x16xf32>,
        %get3A_493 = vector.shape_cast %get3A_492 : vector<1x16xf32> to vector<16xf32>
        %mul3A_494 = arith.mulf %get3A_445, %get3A_493 : vector<16xf32>
        %add3A_495 = arith.addf %scan3A_436, %mul3A_494 : vector<16xf32>
        scf.yield %add3A_453, %add3A_459, %add3A_465, %add3A_471, %add3A_477, %add3A_483, %add3A_489, %add3A_495 : vector<16xf32>, vector<16xf32>, vector<16xf32>, vector<16xf32>, vector<16xf32>, vector<16xf32>, vector<16xf32>, vector<16xf32>
      }
      %scan3A_61 = arith.constant 50 : i32
      %mul3A_62 = arith.constant 2 : i32
      %mul3A_63 = arith.muli %mul3A_30, %mul3A_62 : i32
      %add3A_64 = arith.constant 0 : i32
      %add3A_65 = arith.addi %mul3A_63, %add3A_64 : i32
      %swap3A = arith.index_cast %add3A_65 : i32 to index
      %swap3A_66 = arith.constant 0 : index
      %swap3A_67 = tpu.vector_load %arg12[%swap3A, %swap3A_66] {strides = array<i32>} : memref<32x128xf32, #tpu.memory_space<vmem>>, vector<1x16xf32>,
      %swap3A_68 = vector.shape_cast %swap3A_67 : vector<1x16xf32> to vector<16xf32>
      %swap3A_69 = vector.shape_cast %scan3A_60#0 : vector<16xf32> to vector<1x16xf32>
      tpu.vector_store %arg12[%swap3A, %swap3A_66], %swap3A_69 {strides = array<i32>} : memref<32x128xf32, #tpu.memory_space<vmem>>, vector<1x16xf32>,
      %mul3A_70 = arith.constant 2 : i32
      %mul3A_71 = arith.muli %mul3A_30, %mul3A_70 : i32
      %add3A_72 = arith.constant 0 : i32
      %add3A_73 = arith.addi %mul3A_71, %add3A_72 : i32
      %swap3A_74 = arith.index_cast %add3A_73 : i32 to index
      %swap3A_75 = arith.constant 16 : index
      %swap3A_76 = tpu.vector_load %arg12[%swap3A_74, %swap3A_75] {strides = array<i32>} : memref<32x128xf32, #tpu.memory_space<vmem>>, vector<1x16xf32>,
      %swap3A_77 = vector.shape_cast %swap3A_76 : vector<1x16xf32> to vector<16xf32>
      %swap3A_78 = vector.shape_cast %scan3A_60#1 : vector<16xf32> to vector<1x16xf32>
      tpu.vector_store %arg12[%swap3A_74, %swap3A_75], %swap3A_78 {strides = array<i32>} : memref<32x128xf32, #tpu.memory_space<vmem>>, vector<1x16xf32>,
      %mul3A_79 = arith.constant 2 : i32
      %mul3A_80 = arith.muli %mul3A_30, %mul3A_79 : i32
      %add3A_81 = arith.constant 0 : i32
      %add3A_82 = arith.addi %mul3A_80, %add3A_81 : i32
      %swap3A_83 = arith.index_cast %add3A_82 : i32 to index
      %swap3A_84 = arith.constant 32 : index
      %swap3A_85 = tpu.vector_load %arg12[%swap3A_83, %swap3A_84] {strides = array<i32>} : memref<32x128xf32, #tpu.memory_space<vmem>>, vector<1x16xf32>,
      %swap3A_86 = vector.shape_cast %swap3A_85 : vector<1x16xf32> to vector<16xf32>
      %swap3A_87 = vector.shape_cast %scan3A_60#2 : vector<16xf32> to vector<1x16xf32>
      tpu.vector_store %arg12[%swap3A_83, %swap3A_84], %swap3A_87 {strides = array<i32>} : memref<32x128xf32, #tpu.memory_space<vmem>>, vector<1x16xf32>,
      %mul3A_88 = arith.constant 2 : i32
      %mul3A_89 = arith.muli %mul3A_30, %mul3A_88 : i32
      %add3A_90 = arith.constant 0 : i32
      %add3A_91 = arith.addi %mul3A_89, %add3A_90 : i32
      %swap3A_92 = arith.index_cast %add3A_91 : i32 to index
      %swap3A_93 = arith.constant 48 : index
      %swap3A_94 = tpu.vector_load %arg12[%swap3A_92, %swap3A_93] {strides = array<i32>} : memref<32x128xf32, #tpu.memory_space<vmem>>, vector<1x16xf32>,
      %swap3A_95 = vector.shape_cast %swap3A_94 : vector<1x16xf32> to vector<16xf32>
      %swap3A_96 = vector.shape_cast %scan3A_60#3 : vector<16xf32> to vector<1x16xf32>
      tpu.vector_store %arg12[%swap3A_92, %swap3A_93], %swap3A_96 {strides = array<i32>} : memref<32x128xf32, #tpu.memory_space<vmem>>, vector<1x16xf32>,
      %mul3A_97 = arith.constant 2 : i32
      %mul3A_98 = arith.muli %mul3A_30, %mul3A_97 : i32
      %add3A_99 = arith.constant 0 : i32
      %add3A_100 = arith.addi %mul3A_98, %add3A_99 : i32
      %swap3A_101 = arith.index_cast %add3A_100 : i32 to index
      %swap3A_102 = arith.constant 64 : index
      %swap3A_103 = tpu.vector_load %arg12[%swap3A_101, %swap3A_102] {strides = array<i32>} : memref<32x128xf32, #tpu.memory_space<vmem>>, vector<1x16xf32>,
      %swap3A_104 = vector.shape_cast %swap3A_103 : vector<1x16xf32> to vector<16xf32>
      %swap3A_105 = vector.shape_cast %scan3A_60#4 : vector<16xf32> to vector<1x16xf32>
      tpu.vector_store %arg12[%swap3A_101, %swap3A_102], %swap3A_105 {strides = array<i32>} : memref<32x128xf32, #tpu.memory_space<vmem>>, vector<1x16xf32>,
      %mul3A_106 = arith.constant 2 : i32
      %mul3A_107 = arith.muli %mul3A_30, %mul3A_106 : i32
      %add3A_108 = arith.constant 0 : i32
      %add3A_109 = arith.addi %mul3A_107, %add3A_108 : i32
      %swap3A_110 = arith.index_cast %add3A_109 : i32 to index
      %swap3A_111 = arith.constant 80 : index
      %swap3A_112 = tpu.vector_load %arg12[%swap3A_110, %swap3A_111] {strides = array<i32>} : memref<32x128xf32, #tpu.memory_space<vmem>>, vector<1x16xf32>,
      %swap3A_113 = vector.shape_cast %swap3A_112 : vector<1x16xf32> to vector<16xf32>
      %swap3A_114 = vector.shape_cast %scan3A_60#5 : vector<16xf32> to vector<1x16xf32>
      tpu.vector_store %arg12[%swap3A_110, %swap3A_111], %swap3A_114 {strides = array<i32>} : memref<32x128xf32, #tpu.memory_space<vmem>>, vector<1x16xf32>,
      %mul3A_115 = arith.constant 2 : i32
      %mul3A_116 = arith.muli %mul3A_30, %mul3A_115 : i32
      %add3A_117 = arith.constant 0 : i32
      %add3A_118 = arith.addi %mul3A_116, %add3A_117 : i32
      %swap3A_119 = arith.index_cast %add3A_118 : i32 to index
      %swap3A_120 = arith.constant 96 : index
      %swap3A_121 = tpu.vector_load %arg12[%swap3A_119, %swap3A_120] {strides = array<i32>} : memref<32x128xf32, #tpu.memory_space<vmem>>, vector<1x16xf32>,
      %swap3A_122 = vector.shape_cast %swap3A_121 : vector<1x16xf32> to vector<16xf32>
      %swap3A_123 = vector.shape_cast %scan3A_60#6 : vector<16xf32> to vector<1x16xf32>
      tpu.vector_store %arg12[%swap3A_119, %swap3A_120], %swap3A_123 {strides = array<i32>} : memref<32x128xf32, #tpu.memory_space<vmem>>, vector<1x16xf32>,
      %mul3A_124 = arith.constant 2 : i32
      %mul3A_125 = arith.muli %mul3A_30, %mul3A_124 : i32
      %add3A_126 = arith.constant 0 : i32
      %add3A_127 = arith.addi %mul3A_125, %add3A_126 : i32
      %swap3A_128 = arith.index_cast %add3A_127 : i32 to index
      %swap3A_129 = arith.constant 112 : index
      %swap3A_130 = tpu.vector_load %arg12[%swap3A_128, %swap3A_129] {strides = array<i32>} : memref<32x128xf32, #tpu.memory_space<vmem>>, vector<1x16xf32>,
      %swap3A_131 = vector.shape_cast %swap3A_130 : vector<1x16xf32> to vector<16xf32>
      %swap3A_132 = vector.shape_cast %scan3A_60#7 : vector<16xf32> to vector<1x16xf32>
      tpu.vector_store %arg12[%swap3A_128, %swap3A_129], %swap3A_132 {strides = array<i32>} : memref<32x128xf32, #tpu.memory_space<vmem>>, vector<1x16xf32>,
      %broadcast_in_dim3A_133 = arith.constant 0.000000e+00 : f32
      %broadcast_in_dim3A_134 = vector.broadcast %broadcast_in_dim3A_133 : f32 to vector<16xf32>
      %broadcast_in_dim3A_135 = arith.constant 0.000000e+00 : f32
      %broadcast_in_dim3A_136 = vector.broadcast %broadcast_in_dim3A_135 : f32 to vector<16xf32>
      %broadcast_in_dim3A_137 = arith.constant 0.000000e+00 : f32
      %broadcast_in_dim3A_138 = vector.broadcast %broadcast_in_dim3A_137 : f32 to vector<16xf32>
      %broadcast_in_dim3A_139 = arith.constant 0.000000e+00 : f32
      %broadcast_in_dim3A_140 = vector.broadcast %broadcast_in_dim3A_139 : f32 to vector<16xf32>
      %broadcast_in_dim3A_141 = arith.constant 0.000000e+00 : f32
      %broadcast_in_dim3A_142 = vector.broadcast %broadcast_in_dim3A_141 : f32 to vector<16xf32>
      %broadcast_in_dim3A_143 = arith.constant 0.000000e+00 : f32
      %broadcast_in_dim3A_144 = vector.broadcast %broadcast_in_dim3A_143 : f32 to vector<16xf32>
      %broadcast_in_dim3A_145 = arith.constant 0.000000e+00 : f32
      %broadcast_in_dim3A_146 = vector.broadcast %broadcast_in_dim3A_145 : f32 to vector<16xf32>
      %broadcast_in_dim3A_147 = arith.constant 0.000000e+00 : f32
      %broadcast_in_dim3A_148 = vector.broadcast %broadcast_in_dim3A_147 : f32 to vector<16xf32>
      %scan3A_149 = arith.constant 0 : i32
      %scan3A_150 = arith.constant 50 : i32
      %scan3A_151 = arith.addi %scan3A_149, %scan3A_150 : i32
      %scan3A_152 = arith.constant 1 : i32
      %scan3A_153:8 = scf.for %scan3A_428 = %scan3A_149 to %scan3A_151 step %scan3A_152 iter_args(%scan3A_429 = %broadcast_in_dim3A_134, %scan3A_430 = %broadcast_in_dim3A_136, %scan3A_431 = %broadcast_in_dim3A_138, %scan3A_432 = %broadcast_in_dim3A_140, %scan3A_433 = %broadcast_in_dim3A_142, %scan3A_434 = %broadcast_in_dim3A_144, %scan3A_435 = %broadcast_in_dim3A_146, %scan3A_436 = %broadcast_in_dim3A_148) -> (vector<16xf32>, vector<16xf32>, vector<16xf32>, vector<16xf32>, vector<16xf32>, vector<16xf32>, vector<16xf32>, vector<16xf32>)  : i32 {
        %mul3A_437 = arith.constant 100 : i32
        %mul3A_438 = arith.muli %mul3A_30, %mul3A_437 : i32
        %add3A_439 = arith.constant 50 : i32
        %add3A_440 = arith.addi %mul3A_438, %add3A_439 : i32
        %add3A_441 = arith.addi %add3A_440, %scan3A_428 : i32
        %mul3A_442 = arith.constant 16 : i32
        %mul3A_443 = arith.muli %add3A_441, %mul3A_442 : i32
        %get3A = arith.index_cast %mul3A_443 : i32 to index
        %get3A_444 = tpu.vector_load %arg9[%get3A] {strides = array<i32>} : memref<25600xf32, #tpu.memory_space<vmem>>, vector<16xf32>,
        %get3A_445 = vector.shape_cast %get3A_444 : vector<16xf32> to vector<16xf32>
        %add3A_446 = arith.constant 50 : i32
        %add3A_447 = arith.addi %add3A_446, %scan3A_428 : i32
        %get3A_448 = arith.index_cast %add3A_447 : i32 to index
        %get3A_449 = arith.constant 0 : index
        %get3A_450 = tpu.vector_load %arg10[%get3A_448, %get3A_449] {strides = array<i32>} : memref<100x128xf32, #tpu.memory_space<vmem>>, vector<1x16xf32>,
        %get3A_451 = vector.shape_cast %get3A_450 : vector<1x16xf32> to vector<16xf32>
        %mul3A_452 = arith.mulf %get3A_445, %get3A_451 : vector<16xf32>
        %add3A_453 = arith.addf %scan3A_429, %mul3A_452 : vector<16xf32>
        %get3A_454 = arith.index_cast %add3A_447 : i32 to index
        %get3A_455 = arith.constant 16 : index
        %get3A_456 = tpu.vector_load %arg10[%get3A_454, %get3A_455] {strides = array<i32>} : memref<100x128xf32, #tpu.memory_space<vmem>>, vector<1x16xf32>,
        %get3A_457 = vector.shape_cast %get3A_456 : vector<1x16xf32> to vector<16xf32>
        %mul3A_458 = arith.mulf %get3A_445, %get3A_457 : vector<16xf32>
        %add3A_459 = arith.addf %scan3A_430, %mul3A_458 : vector<16xf32>
        %get3A_460 = arith.index_cast %add3A_447 : i32 to index
        %get3A_461 = arith.constant 32 : index
        %get3A_462 = tpu.vector_load %arg10[%get3A_460, %get3A_461] {strides = array<i32>} : memref<100x128xf32, #tpu.memory_space<vmem>>, vector<1x16xf32>,
        %get3A_463 = vector.shape_cast %get3A_462 : vector<1x16xf32> to vector<16xf32>
        %mul3A_464 = arith.mulf %get3A_445, %get3A_463 : vector<16xf32>
        %add3A_465 = arith.addf %scan3A_431, %mul3A_464 : vector<16xf32>
        %get3A_466 = arith.index_cast %add3A_447 : i32 to index
        %get3A_467 = arith.constant 48 : index
        %get3A_468 = tpu.vector_load %arg10[%get3A_466, %get3A_467] {strides = array<i32>} : memref<100x128xf32, #tpu.memory_space<vmem>>, vector<1x16xf32>,
        %get3A_469 = vector.shape_cast %get3A_468 : vector<1x16xf32> to vector<16xf32>
        %mul3A_470 = arith.mulf %get3A_445, %get3A_469 : vector<16xf32>
        %add3A_471 = arith.addf %scan3A_432, %mul3A_470 : vector<16xf32>
        %get3A_472 = arith.index_cast %add3A_447 : i32 to index
        %get3A_473 = arith.constant 64 : index
        %get3A_474 = tpu.vector_load %arg10[%get3A_472, %get3A_473] {strides = array<i32>} : memref<100x128xf32, #tpu.memory_space<vmem>>, vector<1x16xf32>,
        %get3A_475 = vector.shape_cast %get3A_474 : vector<1x16xf32> to vector<16xf32>
        %mul3A_476 = arith.mulf %get3A_445, %get3A_475 : vector<16xf32>
        %add3A_477 = arith.addf %scan3A_433, %mul3A_476 : vector<16xf32>
        %get3A_478 = arith.index_cast %add3A_447 : i32 to index
        %get3A_479 = arith.constant 80 : index
        %get3A_480 = tpu.vector_load %arg10[%get3A_478, %get3A_479] {strides = array<i32>} : memref<100x128xf32, #tpu.memory_space<vmem>>, vector<1x16xf32>,
        %get3A_481 = vector.shape_cast %get3A_480 : vector<1x16xf32> to vector<16xf32>
        %mul3A_482 = arith.mulf %get3A_445, %get3A_481 : vector<16xf32>
        %add3A_483 = arith.addf %scan3A_434, %mul3A_482 : vector<16xf32>
        %get3A_484 = arith.index_cast %add3A_447 : i32 to index
        %get3A_485 = arith.constant 96 : index
        %get3A_486 = tpu.vector_load %arg10[%get3A_484, %get3A_485] {strides = array<i32>} : memref<100x128xf32, #tpu.memory_space<vmem>>, vector<1x16xf32>,
        %get3A_487 = vector.shape_cast %get3A_486 : vector<1x16xf32> to vector<16xf32>
        %mul3A_488 = arith.mulf %get3A_445, %get3A_487 : vector<16xf32>
        %add3A_489 = arith.addf %scan3A_435, %mul3A_488 : vector<16xf32>
        %get3A_490 = arith.index_cast %add3A_447 : i32 to index
        %get3A_491 = arith.constant 112 : index
        %get3A_492 = tpu.vector_load %arg10[%get3A_490, %get3A_491] {strides = array<i32>} : memref<100x128xf32, #tpu.memory_space<vmem>>, vector<1x16xf32>,
        %get3A_493 = vector.shape_cast %get3A_492 : vector<1x16xf32> to vector<16xf32>
        %mul3A_494 = arith.mulf %get3A_445, %get3A_493 : vector<16xf32>
        %add3A_495 = arith.addf %scan3A_436, %mul3A_494 : vector<16xf32>
        scf.yield %add3A_453, %add3A_459, %add3A_465, %add3A_471, %add3A_477, %add3A_483, %add3A_489, %add3A_495 : vector<16xf32>, vector<16xf32>, vector<16xf32>, vector<16xf32>, vector<16xf32>, vector<16xf32>, vector<16xf32>, vector<16xf32>
      }
      %scan3A_154 = arith.constant 50 : i32
      %mul3A_155 = arith.constant 2 : i32
      %mul3A_156 = arith.muli %mul3A_30, %mul3A_155 : i32
      %add3A_157 = arith.constant 1 : i32
      %add3A_158 = arith.addi %mul3A_156, %add3A_157 : i32
      %swap3A_159 = arith.index_cast %add3A_158 : i32 to index
      %swap3A_160 = arith.constant 0 : index
      %swap3A_161 = tpu.vector_load %arg12[%swap3A_159, %swap3A_160] {strides = array<i32>} : memref<32x128xf32, #tpu.memory_space<vmem>>, vector<1x16xf32>,
      %swap3A_162 = vector.shape_cast %swap3A_161 : vector<1x16xf32> to vector<16xf32>
      %swap3A_163 = vector.shape_cast %scan3A_153#0 : vector<16xf32> to vector<1x16xf32>
      tpu.vector_store %arg12[%swap3A_159, %swap3A_160], %swap3A_163 {strides = array<i32>} : memref<32x128xf32, #tpu.memory_space<vmem>>, vector<1x16xf32>,
      %mul3A_164 = arith.constant 2 : i32
      %mul3A_165 = arith.muli %mul3A_30, %mul3A_164 : i32
      %add3A_166 = arith.constant 1 : i32
      %add3A_167 = arith.addi %mul3A_165, %add3A_166 : i32
      %swap3A_168 = arith.index_cast %add3A_167 : i32 to index
      %swap3A_169 = arith.constant 16 : index
      %swap3A_170 = tpu.vector_load %arg12[%swap3A_168, %swap3A_169] {strides = array<i32>} : memref<32x128xf32, #tpu.memory_space<vmem>>, vector<1x16xf32>,
      %swap3A_171 = vector.shape_cast %swap3A_170 : vector<1x16xf32> to vector<16xf32>
      %swap3A_172 = vector.shape_cast %scan3A_153#1 : vector<16xf32> to vector<1x16xf32>
      tpu.vector_store %arg12[%swap3A_168, %swap3A_169], %swap3A_172 {strides = array<i32>} : memref<32x128xf32, #tpu.memory_space<vmem>>, vector<1x16xf32>,
      %mul3A_173 = arith.constant 2 : i32
      %mul3A_174 = arith.muli %mul3A_30, %mul3A_173 : i32
      %add3A_175 = arith.constant 1 : i32
      %add3A_176 = arith.addi %mul3A_174, %add3A_175 : i32
      %swap3A_177 = arith.index_cast %add3A_176 : i32 to index
      %swap3A_178 = arith.constant 32 : index
      %swap3A_179 = tpu.vector_load %arg12[%swap3A_177, %swap3A_178] {strides = array<i32>} : memref<32x128xf32, #tpu.memory_space<vmem>>, vector<1x16xf32>,
      %swap3A_180 = vector.shape_cast %swap3A_179 : vector<1x16xf32> to vector<16xf32>
      %swap3A_181 = vector.shape_cast %scan3A_153#2 : vector<16xf32> to vector<1x16xf32>
      tpu.vector_store %arg12[%swap3A_177, %swap3A_178], %swap3A_181 {strides = array<i32>} : memref<32x128xf32, #tpu.memory_space<vmem>>, vector<1x16xf32>,
      %mul3A_182 = arith.constant 2 : i32
      %mul3A_183 = arith.muli %mul3A_30, %mul3A_182 : i32
      %add3A_184 = arith.constant 1 : i32
      %add3A_185 = arith.addi %mul3A_183, %add3A_184 : i32
      %swap3A_186 = arith.index_cast %add3A_185 : i32 to index
      %swap3A_187 = arith.constant 48 : index
      %swap3A_188 = tpu.vector_load %arg12[%swap3A_186, %swap3A_187] {strides = array<i32>} : memref<32x128xf32, #tpu.memory_space<vmem>>, vector<1x16xf32>,
      %swap3A_189 = vector.shape_cast %swap3A_188 : vector<1x16xf32> to vector<16xf32>
      %swap3A_190 = vector.shape_cast %scan3A_153#3 : vector<16xf32> to vector<1x16xf32>
      tpu.vector_store %arg12[%swap3A_186, %swap3A_187], %swap3A_190 {strides = array<i32>} : memref<32x128xf32, #tpu.memory_space<vmem>>, vector<1x16xf32>,
      %mul3A_191 = arith.constant 2 : i32
      %mul3A_192 = arith.muli %mul3A_30, %mul3A_191 : i32
      %add3A_193 = arith.constant 1 : i32
      %add3A_194 = arith.addi %mul3A_192, %add3A_193 : i32
      %swap3A_195 = arith.index_cast %add3A_194 : i32 to index
      %swap3A_196 = arith.constant 64 : index
      %swap3A_197 = tpu.vector_load %arg12[%swap3A_195, %swap3A_196] {strides = array<i32>} : memref<32x128xf32, #tpu.memory_space<vmem>>, vector<1x16xf32>,
      %swap3A_198 = vector.shape_cast %swap3A_197 : vector<1x16xf32> to vector<16xf32>
      %swap3A_199 = vector.shape_cast %scan3A_153#4 : vector<16xf32> to vector<1x16xf32>
      tpu.vector_store %arg12[%swap3A_195, %swap3A_196], %swap3A_199 {strides = array<i32>} : memref<32x128xf32, #tpu.memory_space<vmem>>, vector<1x16xf32>,
      %mul3A_200 = arith.constant 2 : i32
      %mul3A_201 = arith.muli %mul3A_30, %mul3A_200 : i32
      %add3A_202 = arith.constant 1 : i32
      %add3A_203 = arith.addi %mul3A_201, %add3A_202 : i32
      %swap3A_204 = arith.index_cast %add3A_203 : i32 to index
      %swap3A_205 = arith.constant 80 : index
      %swap3A_206 = tpu.vector_load %arg12[%swap3A_204, %swap3A_205] {strides = array<i32>} : memref<32x128xf32, #tpu.memory_space<vmem>>, vector<1x16xf32>,
      %swap3A_207 = vector.shape_cast %swap3A_206 : vector<1x16xf32> to vector<16xf32>
      %swap3A_208 = vector.shape_cast %scan3A_153#5 : vector<16xf32> to vector<1x16xf32>
      tpu.vector_store %arg12[%swap3A_204, %swap3A_205], %swap3A_208 {strides = array<i32>} : memref<32x128xf32, #tpu.memory_space<vmem>>, vector<1x16xf32>,
      %mul3A_209 = arith.constant 2 : i32
      %mul3A_210 = arith.muli %mul3A_30, %mul3A_209 : i32
      %add3A_211 = arith.constant 1 : i32
      %add3A_212 = arith.addi %mul3A_210, %add3A_211 : i32
      %swap3A_213 = arith.index_cast %add3A_212 : i32 to index
      %swap3A_214 = arith.constant 96 : index
      %swap3A_215 = tpu.vector_load %arg12[%swap3A_213, %swap3A_214] {strides = array<i32>} : memref<32x128xf32, #tpu.memory_space<vmem>>, vector<1x16xf32>,
      %swap3A_216 = vector.shape_cast %swap3A_215 : vector<1x16xf32> to vector<16xf32>
      %swap3A_217 = vector.shape_cast %scan3A_153#6 : vector<16xf32> to vector<1x16xf32>
      tpu.vector_store %arg12[%swap3A_213, %swap3A_214], %swap3A_217 {strides = array<i32>} : memref<32x128xf32, #tpu.memory_space<vmem>>, vector<1x16xf32>,
      %mul3A_218 = arith.constant 2 : i32
      %mul3A_219 = arith.muli %mul3A_30, %mul3A_218 : i32
      %add3A_220 = arith.constant 1 : i32
      %add3A_221 = arith.addi %mul3A_219, %add3A_220 : i32
      %swap3A_222 = arith.index_cast %add3A_221 : i32 to index
      %swap3A_223 = arith.constant 112 : index
      %swap3A_224 = tpu.vector_load %arg12[%swap3A_222, %swap3A_223] {strides = array<i32>} : memref<32x128xf32, #tpu.memory_space<vmem>>, vector<1x16xf32>,
      %swap3A_225 = vector.shape_cast %swap3A_224 : vector<1x16xf32> to vector<16xf32>
      %swap3A_226 = vector.shape_cast %scan3A_153#7 : vector<16xf32> to vector<1x16xf32>
      tpu.vector_store %arg12[%swap3A_222, %swap3A_223], %swap3A_226 {strides = array<i32>} : memref<32x128xf32, #tpu.memory_space<vmem>>, vector<1x16xf32>,
      %lt3A = arith.constant 7 : i32
      %lt3A_227 = arith.cmpi slt, %scan3A_28, %lt3A : i32
      %convert_element_type3A = arith.extui %lt3A_227 : i1 to i32
      %cond3A = arith.constant 0 : i32
      %cond3A_228 = arith.cmpi ne, %convert_element_type3A, %cond3A : i32
      scf.if %cond3A_228 {
        %add3A_428 = arith.constant 2 : i32
        %add3A_429 = arith.addi %mul3A_30, %add3A_428 : i32
        %dma_start3A_430 = arith.constant 0 : i32
        %dma_start3A_431 = tpu.memref_slice %arg8[%add3A_429, %dma_start3A_430] : memref<16x100xi32, #tpu.memory_space<vmem>> -> memref<1x100xi32, #tpu.memory_space<vmem>>
        %dma_start3A_432 = tpu.memref_squeeze %dma_start3A_431 : memref<1x100xi32, #tpu.memory_space<vmem>> -> memref<100xi32, #tpu.memory_space<vmem>>
        %dma_start3A_433 = arith.constant 0 : i32
        %dma_start3A_434 = arith.constant 0 : i32
        %dma_start3A_435 = tpu.memref_slice %arg5[%dma_start3A_433, %dma_start3A_434] : memref<100001x128xf32, #tpu.memory_space<hbm>> -> memref<100001x128xf32, #tpu.memory_space<hbm>>
        tpu.enqueue_indirect_dma source(%dma_start3A_435 : memref<100001x128xf32, #tpu.memory_space<hbm>>) target(%arg10 : memref<100x128xf32, #tpu.memory_space<vmem>>) offsets(%dma_start3A_432 : memref<100xi32, #tpu.memory_space<vmem>>) semaphore(%arg15 : memref<!tpu.dma_semaphore, #tpu.memory_space<semaphore_mem>>)
      } else {
      }
      %dma_wait3A_229 = arith.constant 0 : i32
      %dma_wait3A_230 = tpu.memref_slice %arg8[%add3A_34, %dma_wait3A_229] : memref<16x100xi32, #tpu.memory_space<vmem>> -> memref<1x100xi32, #tpu.memory_space<vmem>>
      %dma_wait3A_231 = tpu.memref_squeeze %dma_wait3A_230 : memref<1x100xi32, #tpu.memory_space<vmem>> -> memref<100xi32, #tpu.memory_space<vmem>>
      %dma_wait3A_232 = arith.constant 0 : i32
      %dma_wait3A_233 = arith.constant 0 : i32
      %dma_wait3A_234 = tpu.memref_slice %arg5[%dma_wait3A_232, %dma_wait3A_233] : memref<100001x128xf32, #tpu.memory_space<hbm>> -> memref<100001x128xf32, #tpu.memory_space<hbm>>
      tpu.wait_indirect_dma semaphore(%arg16 : memref<!tpu.dma_semaphore, #tpu.memory_space<semaphore_mem>>) src(%dma_wait3A_234 : memref<100001x128xf32, #tpu.memory_space<hbm>>) dst(%arg11 : memref<100x128xf32, #tpu.memory_space<vmem>>)
      %broadcast_in_dim3A_235 = arith.constant 0.000000e+00 : f32
      %broadcast_in_dim3A_236 = vector.broadcast %broadcast_in_dim3A_235 : f32 to vector<16xf32>
      %broadcast_in_dim3A_237 = arith.constant 0.000000e+00 : f32
      %broadcast_in_dim3A_238 = vector.broadcast %broadcast_in_dim3A_237 : f32 to vector<16xf32>
      %broadcast_in_dim3A_239 = arith.constant 0.000000e+00 : f32
      %broadcast_in_dim3A_240 = vector.broadcast %broadcast_in_dim3A_239 : f32 to vector<16xf32>
      %broadcast_in_dim3A_241 = arith.constant 0.000000e+00 : f32
      %broadcast_in_dim3A_242 = vector.broadcast %broadcast_in_dim3A_241 : f32 to vector<16xf32>
      %broadcast_in_dim3A_243 = arith.constant 0.000000e+00 : f32
      %broadcast_in_dim3A_244 = vector.broadcast %broadcast_in_dim3A_243 : f32 to vector<16xf32>
      %broadcast_in_dim3A_245 = arith.constant 0.000000e+00 : f32
      %broadcast_in_dim3A_246 = vector.broadcast %broadcast_in_dim3A_245 : f32 to vector<16xf32>
      %broadcast_in_dim3A_247 = arith.constant 0.000000e+00 : f32
      %broadcast_in_dim3A_248 = vector.broadcast %broadcast_in_dim3A_247 : f32 to vector<16xf32>
      %broadcast_in_dim3A_249 = arith.constant 0.000000e+00 : f32
      %broadcast_in_dim3A_250 = vector.broadcast %broadcast_in_dim3A_249 : f32 to vector<16xf32>
      %scan3A_251 = arith.constant 0 : i32
      %scan3A_252 = arith.constant 50 : i32
      %scan3A_253 = arith.addi %scan3A_251, %scan3A_252 : i32
      %scan3A_254 = arith.constant 1 : i32
      %scan3A_255:8 = scf.for %scan3A_428 = %scan3A_251 to %scan3A_253 step %scan3A_254 iter_args(%scan3A_429 = %broadcast_in_dim3A_236, %scan3A_430 = %broadcast_in_dim3A_238, %scan3A_431 = %broadcast_in_dim3A_240, %scan3A_432 = %broadcast_in_dim3A_242, %scan3A_433 = %broadcast_in_dim3A_244, %scan3A_434 = %broadcast_in_dim3A_246, %scan3A_435 = %broadcast_in_dim3A_248, %scan3A_436 = %broadcast_in_dim3A_250) -> (vector<16xf32>, vector<16xf32>, vector<16xf32>, vector<16xf32>, vector<16xf32>, vector<16xf32>, vector<16xf32>, vector<16xf32>)  : i32 {
        %mul3A_437 = arith.constant 100 : i32
        %mul3A_438 = arith.muli %add3A_34, %mul3A_437 : i32
        %add3A_439 = arith.constant 0 : i32
        %add3A_440 = arith.addi %mul3A_438, %add3A_439 : i32
        %add3A_441 = arith.addi %add3A_440, %scan3A_428 : i32
        %mul3A_442 = arith.constant 16 : i32
        %mul3A_443 = arith.muli %add3A_441, %mul3A_442 : i32
        %get3A = arith.index_cast %mul3A_443 : i32 to index
        %get3A_444 = tpu.vector_load %arg9[%get3A] {strides = array<i32>} : memref<25600xf32, #tpu.memory_space<vmem>>, vector<16xf32>,
        %get3A_445 = vector.shape_cast %get3A_444 : vector<16xf32> to vector<16xf32>
        %add3A_446 = arith.constant 0 : i32
        %add3A_447 = arith.addi %add3A_446, %scan3A_428 : i32
        %get3A_448 = arith.index_cast %add3A_447 : i32 to index
        %get3A_449 = arith.constant 0 : index
        %get3A_450 = tpu.vector_load %arg11[%get3A_448, %get3A_449] {strides = array<i32>} : memref<100x128xf32, #tpu.memory_space<vmem>>, vector<1x16xf32>,
        %get3A_451 = vector.shape_cast %get3A_450 : vector<1x16xf32> to vector<16xf32>
        %mul3A_452 = arith.mulf %get3A_445, %get3A_451 : vector<16xf32>
        %add3A_453 = arith.addf %scan3A_429, %mul3A_452 : vector<16xf32>
        %get3A_454 = arith.index_cast %add3A_447 : i32 to index
        %get3A_455 = arith.constant 16 : index
        %get3A_456 = tpu.vector_load %arg11[%get3A_454, %get3A_455] {strides = array<i32>} : memref<100x128xf32, #tpu.memory_space<vmem>>, vector<1x16xf32>,
        %get3A_457 = vector.shape_cast %get3A_456 : vector<1x16xf32> to vector<16xf32>
        %mul3A_458 = arith.mulf %get3A_445, %get3A_457 : vector<16xf32>
        %add3A_459 = arith.addf %scan3A_430, %mul3A_458 : vector<16xf32>
        %get3A_460 = arith.index_cast %add3A_447 : i32 to index
        %get3A_461 = arith.constant 32 : index
        %get3A_462 = tpu.vector_load %arg11[%get3A_460, %get3A_461] {strides = array<i32>} : memref<100x128xf32, #tpu.memory_space<vmem>>, vector<1x16xf32>,
        %get3A_463 = vector.shape_cast %get3A_462 : vector<1x16xf32> to vector<16xf32>
        %mul3A_464 = arith.mulf %get3A_445, %get3A_463 : vector<16xf32>
        %add3A_465 = arith.addf %scan3A_431, %mul3A_464 : vector<16xf32>
        %get3A_466 = arith.index_cast %add3A_447 : i32 to index
        %get3A_467 = arith.constant 48 : index
        %get3A_468 = tpu.vector_load %arg11[%get3A_466, %get3A_467] {strides = array<i32>} : memref<100x128xf32, #tpu.memory_space<vmem>>, vector<1x16xf32>,
        %get3A_469 = vector.shape_cast %get3A_468 : vector<1x16xf32> to vector<16xf32>
        %mul3A_470 = arith.mulf %get3A_445, %get3A_469 : vector<16xf32>
        %add3A_471 = arith.addf %scan3A_432, %mul3A_470 : vector<16xf32>
        %get3A_472 = arith.index_cast %add3A_447 : i32 to index
        %get3A_473 = arith.constant 64 : index
        %get3A_474 = tpu.vector_load %arg11[%get3A_472, %get3A_473] {strides = array<i32>} : memref<100x128xf32, #tpu.memory_space<vmem>>, vector<1x16xf32>,
        %get3A_475 = vector.shape_cast %get3A_474 : vector<1x16xf32> to vector<16xf32>
        %mul3A_476 = arith.mulf %get3A_445, %get3A_475 : vector<16xf32>
        %add3A_477 = arith.addf %scan3A_433, %mul3A_476 : vector<16xf32>
        %get3A_478 = arith.index_cast %add3A_447 : i32 to index
        %get3A_479 = arith.constant 80 : index
        %get3A_480 = tpu.vector_load %arg11[%get3A_478, %get3A_479] {strides = array<i32>} : memref<100x128xf32, #tpu.memory_space<vmem>>, vector<1x16xf32>,
        %get3A_481 = vector.shape_cast %get3A_480 : vector<1x16xf32> to vector<16xf32>
        %mul3A_482 = arith.mulf %get3A_445, %get3A_481 : vector<16xf32>
        %add3A_483 = arith.addf %scan3A_434, %mul3A_482 : vector<16xf32>
        %get3A_484 = arith.index_cast %add3A_447 : i32 to index
        %get3A_485 = arith.constant 96 : index
        %get3A_486 = tpu.vector_load %arg11[%get3A_484, %get3A_485] {strides = array<i32>} : memref<100x128xf32, #tpu.memory_space<vmem>>, vector<1x16xf32>,
        %get3A_487 = vector.shape_cast %get3A_486 : vector<1x16xf32> to vector<16xf32>
        %mul3A_488 = arith.mulf %get3A_445, %get3A_487 : vector<16xf32>
        %add3A_489 = arith.addf %scan3A_435, %mul3A_488 : vector<16xf32>
        %get3A_490 = arith.index_cast %add3A_447 : i32 to index
        %get3A_491 = arith.constant 112 : index
        %get3A_492 = tpu.vector_load %arg11[%get3A_490, %get3A_491] {strides = array<i32>} : memref<100x128xf32, #tpu.memory_space<vmem>>, vector<1x16xf32>,
        %get3A_493 = vector.shape_cast %get3A_492 : vector<1x16xf32> to vector<16xf32>
        %mul3A_494 = arith.mulf %get3A_445, %get3A_493 : vector<16xf32>
        %add3A_495 = arith.addf %scan3A_436, %mul3A_494 : vector<16xf32>
        scf.yield %add3A_453, %add3A_459, %add3A_465, %add3A_471, %add3A_477, %add3A_483, %add3A_489, %add3A_495 : vector<16xf32>, vector<16xf32>, vector<16xf32>, vector<16xf32>, vector<16xf32>, vector<16xf32>, vector<16xf32>, vector<16xf32>
      }
      %scan3A_256 = arith.constant 50 : i32
      %mul3A_257 = arith.constant 2 : i32
      %mul3A_258 = arith.muli %add3A_34, %mul3A_257 : i32
      %add3A_259 = arith.constant 0 : i32
      %add3A_260 = arith.addi %mul3A_258, %add3A_259 : i32
      %swap3A_261 = arith.index_cast %add3A_260 : i32 to index
      %swap3A_262 = arith.constant 0 : index
      %swap3A_263 = tpu.vector_load %arg12[%swap3A_261, %swap3A_262] {strides = array<i32>} : memref<32x128xf32, #tpu.memory_space<vmem>>, vector<1x16xf32>,
      %swap3A_264 = vector.shape_cast %swap3A_263 : vector<1x16xf32> to vector<16xf32>
      %swap3A_265 = vector.shape_cast %scan3A_255#0 : vector<16xf32> to vector<1x16xf32>
      tpu.vector_store %arg12[%swap3A_261, %swap3A_262], %swap3A_265 {strides = array<i32>} : memref<32x128xf32, #tpu.memory_space<vmem>>, vector<1x16xf32>,
      %mul3A_266 = arith.constant 2 : i32
      %mul3A_267 = arith.muli %add3A_34, %mul3A_266 : i32
      %add3A_268 = arith.constant 0 : i32
      %add3A_269 = arith.addi %mul3A_267, %add3A_268 : i32
      %swap3A_270 = arith.index_cast %add3A_269 : i32 to index
      %swap3A_271 = arith.constant 16 : index
      %swap3A_272 = tpu.vector_load %arg12[%swap3A_270, %swap3A_271] {strides = array<i32>} : memref<32x128xf32, #tpu.memory_space<vmem>>, vector<1x16xf32>,
      %swap3A_273 = vector.shape_cast %swap3A_272 : vector<1x16xf32> to vector<16xf32>
      %swap3A_274 = vector.shape_cast %scan3A_255#1 : vector<16xf32> to vector<1x16xf32>
      tpu.vector_store %arg12[%swap3A_270, %swap3A_271], %swap3A_274 {strides = array<i32>} : memref<32x128xf32, #tpu.memory_space<vmem>>, vector<1x16xf32>,
      %mul3A_275 = arith.constant 2 : i32
      %mul3A_276 = arith.muli %add3A_34, %mul3A_275 : i32
      %add3A_277 = arith.constant 0 : i32
      %add3A_278 = arith.addi %mul3A_276, %add3A_277 : i32
      %swap3A_279 = arith.index_cast %add3A_278 : i32 to index
      %swap3A_280 = arith.constant 32 : index
      %swap3A_281 = tpu.vector_load %arg12[%swap3A_279, %swap3A_280] {strides = array<i32>} : memref<32x128xf32, #tpu.memory_space<vmem>>, vector<1x16xf32>,
      %swap3A_282 = vector.shape_cast %swap3A_281 : vector<1x16xf32> to vector<16xf32>
      %swap3A_283 = vector.shape_cast %scan3A_255#2 : vector<16xf32> to vector<1x16xf32>
      tpu.vector_store %arg12[%swap3A_279, %swap3A_280], %swap3A_283 {strides = array<i32>} : memref<32x128xf32, #tpu.memory_space<vmem>>, vector<1x16xf32>,
      %mul3A_284 = arith.constant 2 : i32
      %mul3A_285 = arith.muli %add3A_34, %mul3A_284 : i32
      %add3A_286 = arith.constant 0 : i32
      %add3A_287 = arith.addi %mul3A_285, %add3A_286 : i32
      %swap3A_288 = arith.index_cast %add3A_287 : i32 to index
      %swap3A_289 = arith.constant 48 : index
      %swap3A_290 = tpu.vector_load %arg12[%swap3A_288, %swap3A_289] {strides = array<i32>} : memref<32x128xf32, #tpu.memory_space<vmem>>, vector<1x16xf32>,
      %swap3A_291 = vector.shape_cast %swap3A_290 : vector<1x16xf32> to vector<16xf32>
      %swap3A_292 = vector.shape_cast %scan3A_255#3 : vector<16xf32> to vector<1x16xf32>
      tpu.vector_store %arg12[%swap3A_288, %swap3A_289], %swap3A_292 {strides = array<i32>} : memref<32x128xf32, #tpu.memory_space<vmem>>, vector<1x16xf32>,
      %mul3A_293 = arith.constant 2 : i32
      %mul3A_294 = arith.muli %add3A_34, %mul3A_293 : i32
      %add3A_295 = arith.constant 0 : i32
      %add3A_296 = arith.addi %mul3A_294, %add3A_295 : i32
      %swap3A_297 = arith.index_cast %add3A_296 : i32 to index
      %swap3A_298 = arith.constant 64 : index
      %swap3A_299 = tpu.vector_load %arg12[%swap3A_297, %swap3A_298] {strides = array<i32>} : memref<32x128xf32, #tpu.memory_space<vmem>>, vector<1x16xf32>,
      %swap3A_300 = vector.shape_cast %swap3A_299 : vector<1x16xf32> to vector<16xf32>
      %swap3A_301 = vector.shape_cast %scan3A_255#4 : vector<16xf32> to vector<1x16xf32>
      tpu.vector_store %arg12[%swap3A_297, %swap3A_298], %swap3A_301 {strides = array<i32>} : memref<32x128xf32, #tpu.memory_space<vmem>>, vector<1x16xf32>,
      %mul3A_302 = arith.constant 2 : i32
      %mul3A_303 = arith.muli %add3A_34, %mul3A_302 : i32
      %add3A_304 = arith.constant 0 : i32
      %add3A_305 = arith.addi %mul3A_303, %add3A_304 : i32
      %swap3A_306 = arith.index_cast %add3A_305 : i32 to index
      %swap3A_307 = arith.constant 80 : index
      %swap3A_308 = tpu.vector_load %arg12[%swap3A_306, %swap3A_307] {strides = array<i32>} : memref<32x128xf32, #tpu.memory_space<vmem>>, vector<1x16xf32>,
      %swap3A_309 = vector.shape_cast %swap3A_308 : vector<1x16xf32> to vector<16xf32>
      %swap3A_310 = vector.shape_cast %scan3A_255#5 : vector<16xf32> to vector<1x16xf32>
      tpu.vector_store %arg12[%swap3A_306, %swap3A_307], %swap3A_310 {strides = array<i32>} : memref<32x128xf32, #tpu.memory_space<vmem>>, vector<1x16xf32>,
      %mul3A_311 = arith.constant 2 : i32
      %mul3A_312 = arith.muli %add3A_34, %mul3A_311 : i32
      %add3A_313 = arith.constant 0 : i32
      %add3A_314 = arith.addi %mul3A_312, %add3A_313 : i32
      %swap3A_315 = arith.index_cast %add3A_314 : i32 to index
      %swap3A_316 = arith.constant 96 : index
      %swap3A_317 = tpu.vector_load %arg12[%swap3A_315, %swap3A_316] {strides = array<i32>} : memref<32x128xf32, #tpu.memory_space<vmem>>, vector<1x16xf32>,
      %swap3A_318 = vector.shape_cast %swap3A_317 : vector<1x16xf32> to vector<16xf32>
      %swap3A_319 = vector.shape_cast %scan3A_255#6 : vector<16xf32> to vector<1x16xf32>
      tpu.vector_store %arg12[%swap3A_315, %swap3A_316], %swap3A_319 {strides = array<i32>} : memref<32x128xf32, #tpu.memory_space<vmem>>, vector<1x16xf32>,
      %mul3A_320 = arith.constant 2 : i32
      %mul3A_321 = arith.muli %add3A_34, %mul3A_320 : i32
      %add3A_322 = arith.constant 0 : i32
      %add3A_323 = arith.addi %mul3A_321, %add3A_322 : i32
      %swap3A_324 = arith.index_cast %add3A_323 : i32 to index
      %swap3A_325 = arith.constant 112 : index
      %swap3A_326 = tpu.vector_load %arg12[%swap3A_324, %swap3A_325] {strides = array<i32>} : memref<32x128xf32, #tpu.memory_space<vmem>>, vector<1x16xf32>,
      %swap3A_327 = vector.shape_cast %swap3A_326 : vector<1x16xf32> to vector<16xf32>
      %swap3A_328 = vector.shape_cast %scan3A_255#7 : vector<16xf32> to vector<1x16xf32>
      tpu.vector_store %arg12[%swap3A_324, %swap3A_325], %swap3A_328 {strides = array<i32>} : memref<32x128xf32, #tpu.memory_space<vmem>>, vector<1x16xf32>,
      %broadcast_in_dim3A_329 = arith.constant 0.000000e+00 : f32
      %broadcast_in_dim3A_330 = vector.broadcast %broadcast_in_dim3A_329 : f32 to vector<16xf32>
      %broadcast_in_dim3A_331 = arith.constant 0.000000e+00 : f32
      %broadcast_in_dim3A_332 = vector.broadcast %broadcast_in_dim3A_331 : f32 to vector<16xf32>
      %broadcast_in_dim3A_333 = arith.constant 0.000000e+00 : f32
      %broadcast_in_dim3A_334 = vector.broadcast %broadcast_in_dim3A_333 : f32 to vector<16xf32>
      %broadcast_in_dim3A_335 = arith.constant 0.000000e+00 : f32
      %broadcast_in_dim3A_336 = vector.broadcast %broadcast_in_dim3A_335 : f32 to vector<16xf32>
      %broadcast_in_dim3A_337 = arith.constant 0.000000e+00 : f32
      %broadcast_in_dim3A_338 = vector.broadcast %broadcast_in_dim3A_337 : f32 to vector<16xf32>
      %broadcast_in_dim3A_339 = arith.constant 0.000000e+00 : f32
      %broadcast_in_dim3A_340 = vector.broadcast %broadcast_in_dim3A_339 : f32 to vector<16xf32>
      %broadcast_in_dim3A_341 = arith.constant 0.000000e+00 : f32
      %broadcast_in_dim3A_342 = vector.broadcast %broadcast_in_dim3A_341 : f32 to vector<16xf32>
      %broadcast_in_dim3A_343 = arith.constant 0.000000e+00 : f32
      %broadcast_in_dim3A_344 = vector.broadcast %broadcast_in_dim3A_343 : f32 to vector<16xf32>
      %scan3A_345 = arith.constant 0 : i32
      %scan3A_346 = arith.constant 50 : i32
      %scan3A_347 = arith.addi %scan3A_345, %scan3A_346 : i32
      %scan3A_348 = arith.constant 1 : i32
      %scan3A_349:8 = scf.for %scan3A_428 = %scan3A_345 to %scan3A_347 step %scan3A_348 iter_args(%scan3A_429 = %broadcast_in_dim3A_330, %scan3A_430 = %broadcast_in_dim3A_332, %scan3A_431 = %broadcast_in_dim3A_334, %scan3A_432 = %broadcast_in_dim3A_336, %scan3A_433 = %broadcast_in_dim3A_338, %scan3A_434 = %broadcast_in_dim3A_340, %scan3A_435 = %broadcast_in_dim3A_342, %scan3A_436 = %broadcast_in_dim3A_344) -> (vector<16xf32>, vector<16xf32>, vector<16xf32>, vector<16xf32>, vector<16xf32>, vector<16xf32>, vector<16xf32>, vector<16xf32>)  : i32 {
        %mul3A_437 = arith.constant 100 : i32
        %mul3A_438 = arith.muli %add3A_34, %mul3A_437 : i32
        %add3A_439 = arith.constant 50 : i32
        %add3A_440 = arith.addi %mul3A_438, %add3A_439 : i32
        %add3A_441 = arith.addi %add3A_440, %scan3A_428 : i32
        %mul3A_442 = arith.constant 16 : i32
        %mul3A_443 = arith.muli %add3A_441, %mul3A_442 : i32
        %get3A = arith.index_cast %mul3A_443 : i32 to index
        %get3A_444 = tpu.vector_load %arg9[%get3A] {strides = array<i32>} : memref<25600xf32, #tpu.memory_space<vmem>>, vector<16xf32>,
        %get3A_445 = vector.shape_cast %get3A_444 : vector<16xf32> to vector<16xf32>
        %add3A_446 = arith.constant 50 : i32
        %add3A_447 = arith.addi %add3A_446, %scan3A_428 : i32
        %get3A_448 = arith.index_cast %add3A_447 : i32 to index
        %get3A_449 = arith.constant 0 : index
        %get3A_450 = tpu.vector_load %arg11[%get3A_448, %get3A_449] {strides = array<i32>} : memref<100x128xf32, #tpu.memory_space<vmem>>, vector<1x16xf32>,
        %get3A_451 = vector.shape_cast %get3A_450 : vector<1x16xf32> to vector<16xf32>
        %mul3A_452 = arith.mulf %get3A_445, %get3A_451 : vector<16xf32>
        %add3A_453 = arith.addf %scan3A_429, %mul3A_452 : vector<16xf32>
        %get3A_454 = arith.index_cast %add3A_447 : i32 to index
        %get3A_455 = arith.constant 16 : index
        %get3A_456 = tpu.vector_load %arg11[%get3A_454, %get3A_455] {strides = array<i32>} : memref<100x128xf32, #tpu.memory_space<vmem>>, vector<1x16xf32>,
        %get3A_457 = vector.shape_cast %get3A_456 : vector<1x16xf32> to vector<16xf32>
        %mul3A_458 = arith.mulf %get3A_445, %get3A_457 : vector<16xf32>
        %add3A_459 = arith.addf %scan3A_430, %mul3A_458 : vector<16xf32>
        %get3A_460 = arith.index_cast %add3A_447 : i32 to index
        %get3A_461 = arith.constant 32 : index
        %get3A_462 = tpu.vector_load %arg11[%get3A_460, %get3A_461] {strides = array<i32>} : memref<100x128xf32, #tpu.memory_space<vmem>>, vector<1x16xf32>,
        %get3A_463 = vector.shape_cast %get3A_462 : vector<1x16xf32> to vector<16xf32>
        %mul3A_464 = arith.mulf %get3A_445, %get3A_463 : vector<16xf32>
        %add3A_465 = arith.addf %scan3A_431, %mul3A_464 : vector<16xf32>
        %get3A_466 = arith.index_cast %add3A_447 : i32 to index
        %get3A_467 = arith.constant 48 : index
        %get3A_468 = tpu.vector_load %arg11[%get3A_466, %get3A_467] {strides = array<i32>} : memref<100x128xf32, #tpu.memory_space<vmem>>, vector<1x16xf32>,
        %get3A_469 = vector.shape_cast %get3A_468 : vector<1x16xf32> to vector<16xf32>
        %mul3A_470 = arith.mulf %get3A_445, %get3A_469 : vector<16xf32>
        %add3A_471 = arith.addf %scan3A_432, %mul3A_470 : vector<16xf32>
        %get3A_472 = arith.index_cast %add3A_447 : i32 to index
        %get3A_473 = arith.constant 64 : index
        %get3A_474 = tpu.vector_load %arg11[%get3A_472, %get3A_473] {strides = array<i32>} : memref<100x128xf32, #tpu.memory_space<vmem>>, vector<1x16xf32>,
        %get3A_475 = vector.shape_cast %get3A_474 : vector<1x16xf32> to vector<16xf32>
        %mul3A_476 = arith.mulf %get3A_445, %get3A_475 : vector<16xf32>
        %add3A_477 = arith.addf %scan3A_433, %mul3A_476 : vector<16xf32>
        %get3A_478 = arith.index_cast %add3A_447 : i32 to index
        %get3A_479 = arith.constant 80 : index
        %get3A_480 = tpu.vector_load %arg11[%get3A_478, %get3A_479] {strides = array<i32>} : memref<100x128xf32, #tpu.memory_space<vmem>>, vector<1x16xf32>,
        %get3A_481 = vector.shape_cast %get3A_480 : vector<1x16xf32> to vector<16xf32>
        %mul3A_482 = arith.mulf %get3A_445, %get3A_481 : vector<16xf32>
        %add3A_483 = arith.addf %scan3A_434, %mul3A_482 : vector<16xf32>
        %get3A_484 = arith.index_cast %add3A_447 : i32 to index
        %get3A_485 = arith.constant 96 : index
        %get3A_486 = tpu.vector_load %arg11[%get3A_484, %get3A_485] {strides = array<i32>} : memref<100x128xf32, #tpu.memory_space<vmem>>, vector<1x16xf32>,
        %get3A_487 = vector.shape_cast %get3A_486 : vector<1x16xf32> to vector<16xf32>
        %mul3A_488 = arith.mulf %get3A_445, %get3A_487 : vector<16xf32>
        %add3A_489 = arith.addf %scan3A_435, %mul3A_488 : vector<16xf32>
        %get3A_490 = arith.index_cast %add3A_447 : i32 to index
        %get3A_491 = arith.constant 112 : index
        %get3A_492 = tpu.vector_load %arg11[%get3A_490, %get3A_491] {strides = array<i32>} : memref<100x128xf32, #tpu.memory_space<vmem>>, vector<1x16xf32>,
        %get3A_493 = vector.shape_cast %get3A_492 : vector<1x16xf32> to vector<16xf32>
        %mul3A_494 = arith.mulf %get3A_445, %get3A_493 : vector<16xf32>
        %add3A_495 = arith.addf %scan3A_436, %mul3A_494 : vector<16xf32>
        scf.yield %add3A_453, %add3A_459, %add3A_465, %add3A_471, %add3A_477, %add3A_483, %add3A_489, %add3A_495 : vector<16xf32>, vector<16xf32>, vector<16xf32>, vector<16xf32>, vector<16xf32>, vector<16xf32>, vector<16xf32>, vector<16xf32>
      }
      %scan3A_350 = arith.constant 50 : i32
      %mul3A_351 = arith.constant 2 : i32
      %mul3A_352 = arith.muli %add3A_34, %mul3A_351 : i32
      %add3A_353 = arith.constant 1 : i32
      %add3A_354 = arith.addi %mul3A_352, %add3A_353 : i32
      %swap3A_355 = arith.index_cast %add3A_354 : i32 to index
      %swap3A_356 = arith.constant 0 : index
      %swap3A_357 = tpu.vector_load %arg12[%swap3A_355, %swap3A_356] {strides = array<i32>} : memref<32x128xf32, #tpu.memory_space<vmem>>, vector<1x16xf32>,
      %swap3A_358 = vector.shape_cast %swap3A_357 : vector<1x16xf32> to vector<16xf32>
      %swap3A_359 = vector.shape_cast %scan3A_349#0 : vector<16xf32> to vector<1x16xf32>
      tpu.vector_store %arg12[%swap3A_355, %swap3A_356], %swap3A_359 {strides = array<i32>} : memref<32x128xf32, #tpu.memory_space<vmem>>, vector<1x16xf32>,
      %mul3A_360 = arith.constant 2 : i32
      %mul3A_361 = arith.muli %add3A_34, %mul3A_360 : i32
      %add3A_362 = arith.constant 1 : i32
      %add3A_363 = arith.addi %mul3A_361, %add3A_362 : i32
      %swap3A_364 = arith.index_cast %add3A_363 : i32 to index
      %swap3A_365 = arith.constant 16 : index
      %swap3A_366 = tpu.vector_load %arg12[%swap3A_364, %swap3A_365] {strides = array<i32>} : memref<32x128xf32, #tpu.memory_space<vmem>>, vector<1x16xf32>,
      %swap3A_367 = vector.shape_cast %swap3A_366 : vector<1x16xf32> to vector<16xf32>
      %swap3A_368 = vector.shape_cast %scan3A_349#1 : vector<16xf32> to vector<1x16xf32>
      tpu.vector_store %arg12[%swap3A_364, %swap3A_365], %swap3A_368 {strides = array<i32>} : memref<32x128xf32, #tpu.memory_space<vmem>>, vector<1x16xf32>,
      %mul3A_369 = arith.constant 2 : i32
      %mul3A_370 = arith.muli %add3A_34, %mul3A_369 : i32
      %add3A_371 = arith.constant 1 : i32
      %add3A_372 = arith.addi %mul3A_370, %add3A_371 : i32
      %swap3A_373 = arith.index_cast %add3A_372 : i32 to index
      %swap3A_374 = arith.constant 32 : index
      %swap3A_375 = tpu.vector_load %arg12[%swap3A_373, %swap3A_374] {strides = array<i32>} : memref<32x128xf32, #tpu.memory_space<vmem>>, vector<1x16xf32>,
      %swap3A_376 = vector.shape_cast %swap3A_375 : vector<1x16xf32> to vector<16xf32>
      %swap3A_377 = vector.shape_cast %scan3A_349#2 : vector<16xf32> to vector<1x16xf32>
      tpu.vector_store %arg12[%swap3A_373, %swap3A_374], %swap3A_377 {strides = array<i32>} : memref<32x128xf32, #tpu.memory_space<vmem>>, vector<1x16xf32>,
      %mul3A_378 = arith.constant 2 : i32
      %mul3A_379 = arith.muli %add3A_34, %mul3A_378 : i32
      %add3A_380 = arith.constant 1 : i32
      %add3A_381 = arith.addi %mul3A_379, %add3A_380 : i32
      %swap3A_382 = arith.index_cast %add3A_381 : i32 to index
      %swap3A_383 = arith.constant 48 : index
      %swap3A_384 = tpu.vector_load %arg12[%swap3A_382, %swap3A_383] {strides = array<i32>} : memref<32x128xf32, #tpu.memory_space<vmem>>, vector<1x16xf32>,
      %swap3A_385 = vector.shape_cast %swap3A_384 : vector<1x16xf32> to vector<16xf32>
      %swap3A_386 = vector.shape_cast %scan3A_349#3 : vector<16xf32> to vector<1x16xf32>
      tpu.vector_store %arg12[%swap3A_382, %swap3A_383], %swap3A_386 {strides = array<i32>} : memref<32x128xf32, #tpu.memory_space<vmem>>, vector<1x16xf32>,
      %mul3A_387 = arith.constant 2 : i32
      %mul3A_388 = arith.muli %add3A_34, %mul3A_387 : i32
      %add3A_389 = arith.constant 1 : i32
      %add3A_390 = arith.addi %mul3A_388, %add3A_389 : i32
      %swap3A_391 = arith.index_cast %add3A_390 : i32 to index
      %swap3A_392 = arith.constant 64 : index
      %swap3A_393 = tpu.vector_load %arg12[%swap3A_391, %swap3A_392] {strides = array<i32>} : memref<32x128xf32, #tpu.memory_space<vmem>>, vector<1x16xf32>,
      %swap3A_394 = vector.shape_cast %swap3A_393 : vector<1x16xf32> to vector<16xf32>
      %swap3A_395 = vector.shape_cast %scan3A_349#4 : vector<16xf32> to vector<1x16xf32>
      tpu.vector_store %arg12[%swap3A_391, %swap3A_392], %swap3A_395 {strides = array<i32>} : memref<32x128xf32, #tpu.memory_space<vmem>>, vector<1x16xf32>,
      %mul3A_396 = arith.constant 2 : i32
      %mul3A_397 = arith.muli %add3A_34, %mul3A_396 : i32
      %add3A_398 = arith.constant 1 : i32
      %add3A_399 = arith.addi %mul3A_397, %add3A_398 : i32
      %swap3A_400 = arith.index_cast %add3A_399 : i32 to index
      %swap3A_401 = arith.constant 80 : index
      %swap3A_402 = tpu.vector_load %arg12[%swap3A_400, %swap3A_401] {strides = array<i32>} : memref<32x128xf32, #tpu.memory_space<vmem>>, vector<1x16xf32>,
      %swap3A_403 = vector.shape_cast %swap3A_402 : vector<1x16xf32> to vector<16xf32>
      %swap3A_404 = vector.shape_cast %scan3A_349#5 : vector<16xf32> to vector<1x16xf32>
      tpu.vector_store %arg12[%swap3A_400, %swap3A_401], %swap3A_404 {strides = array<i32>} : memref<32x128xf32, #tpu.memory_space<vmem>>, vector<1x16xf32>,
      %mul3A_405 = arith.constant 2 : i32
      %mul3A_406 = arith.muli %add3A_34, %mul3A_405 : i32
      %add3A_407 = arith.constant 1 : i32
      %add3A_408 = arith.addi %mul3A_406, %add3A_407 : i32
      %swap3A_409 = arith.index_cast %add3A_408 : i32 to index
      %swap3A_410 = arith.constant 96 : index
      %swap3A_411 = tpu.vector_load %arg12[%swap3A_409, %swap3A_410] {strides = array<i32>} : memref<32x128xf32, #tpu.memory_space<vmem>>, vector<1x16xf32>,
      %swap3A_412 = vector.shape_cast %swap3A_411 : vector<1x16xf32> to vector<16xf32>
      %swap3A_413 = vector.shape_cast %scan3A_349#6 : vector<16xf32> to vector<1x16xf32>
      tpu.vector_store %arg12[%swap3A_409, %swap3A_410], %swap3A_413 {strides = array<i32>} : memref<32x128xf32, #tpu.memory_space<vmem>>, vector<1x16xf32>,
      %mul3A_414 = arith.constant 2 : i32
      %mul3A_415 = arith.muli %add3A_34, %mul3A_414 : i32
      %add3A_416 = arith.constant 1 : i32
      %add3A_417 = arith.addi %mul3A_415, %add3A_416 : i32
      %swap3A_418 = arith.index_cast %add3A_417 : i32 to index
      %swap3A_419 = arith.constant 112 : index
      %swap3A_420 = tpu.vector_load %arg12[%swap3A_418, %swap3A_419] {strides = array<i32>} : memref<32x128xf32, #tpu.memory_space<vmem>>, vector<1x16xf32>,
      %swap3A_421 = vector.shape_cast %swap3A_420 : vector<1x16xf32> to vector<16xf32>
      %swap3A_422 = vector.shape_cast %scan3A_349#7 : vector<16xf32> to vector<1x16xf32>
      tpu.vector_store %arg12[%swap3A_418, %swap3A_419], %swap3A_422 {strides = array<i32>} : memref<32x128xf32, #tpu.memory_space<vmem>>, vector<1x16xf32>,
      %lt3A_423 = arith.constant 7 : i32
      %lt3A_424 = arith.cmpi slt, %scan3A_28, %lt3A_423 : i32
      %convert_element_type3A_425 = arith.extui %lt3A_424 : i1 to i32
      %cond3A_426 = arith.constant 0 : i32
      %cond3A_427 = arith.cmpi ne, %convert_element_type3A_425, %cond3A_426 : i32
      scf.if %cond3A_427 {
        %add3A_428 = arith.constant 2 : i32
        %add3A_429 = arith.addi %add3A_34, %add3A_428 : i32
        %dma_start3A_430 = arith.constant 0 : i32
        %dma_start3A_431 = tpu.memref_slice %arg8[%add3A_429, %dma_start3A_430] : memref<16x100xi32, #tpu.memory_space<vmem>> -> memref<1x100xi32, #tpu.memory_space<vmem>>
        %dma_start3A_432 = tpu.memref_squeeze %dma_start3A_431 : memref<1x100xi32, #tpu.memory_space<vmem>> -> memref<100xi32, #tpu.memory_space<vmem>>
        %dma_start3A_433 = arith.constant 0 : i32
        %dma_start3A_434 = arith.constant 0 : i32
        %dma_start3A_435 = tpu.memref_slice %arg5[%dma_start3A_433, %dma_start3A_434] : memref<100001x128xf32, #tpu.memory_space<hbm>> -> memref<100001x128xf32, #tpu.memory_space<hbm>>
        tpu.enqueue_indirect_dma source(%dma_start3A_435 : memref<100001x128xf32, #tpu.memory_space<hbm>>) target(%arg11 : memref<100x128xf32, #tpu.memory_space<vmem>>) offsets(%dma_start3A_432 : memref<100xi32, #tpu.memory_space<vmem>>) semaphore(%arg16 : memref<!tpu.dma_semaphore, #tpu.memory_space<semaphore_mem>>)
      } else {
      }
    }
    %scan3A_18 = arith.constant 8 : i32
    %mul3A_19 = arith.constant 32 : i32
    %mul3A_20 = arith.muli %add3A, %mul3A_19 : i32
    "tpu.region"() ({
      %run_scoped3A = tpu.sem_alloc : memref<!tpu.dma_semaphore, #tpu.memory_space<semaphore_mem>>
      %dma_start3A_28 = arith.constant 0 : i32
      %dma_start3A_29 = tpu.memref_slice %arg6[%mul3A_20, %dma_start3A_28] : memref<1024x128xf32, #tpu.memory_space<hbm>> -> memref<32x128xf32, #tpu.memory_space<hbm>>
      %dma_start3A_30 = arith.constant 0 : i32
      %dma_start3A_31 = tpu.memref_slice %arg6[%mul3A_20, %dma_start3A_30] : memref<1024x128xf32, #tpu.memory_space<hbm>> -> memref<32x128xf32, #tpu.memory_space<hbm>>
      tpu.enqueue_dma source(%arg12 : memref<32x128xf32, #tpu.memory_space<vmem>>) target(%dma_start3A_31 : memref<32x128xf32, #tpu.memory_space<hbm>>) target_semaphore(%run_scoped3A : memref<!tpu.dma_semaphore, #tpu.memory_space<semaphore_mem>>)
      %dma_wait3A_32 = arith.constant 0 : i32
      %dma_wait3A_33 = tpu.memref_slice %arg6[%mul3A_20, %dma_wait3A_32] : memref<1024x128xf32, #tpu.memory_space<hbm>> -> memref<32x128xf32, #tpu.memory_space<hbm>>
      %dma_wait3A_34 = arith.constant 0 : i32
      %dma_wait3A_35 = tpu.memref_slice %arg6[%mul3A_20, %dma_wait3A_34] : memref<1024x128xf32, #tpu.memory_space<hbm>> -> memref<32x128xf32, #tpu.memory_space<hbm>>
      tpu.wait_dma2 semaphore(%run_scoped3A : memref<!tpu.dma_semaphore, #tpu.memory_space<semaphore_mem>>) src(%arg12 : memref<32x128xf32, #tpu.memory_space<vmem>>) dst(%dma_wait3A_35 : memref<32x128xf32, #tpu.memory_space<hbm>>)
      tpu.yield
    }) : () -> ()
    "tpu.region"() ({
      %run_scoped3A = tpu.sem_alloc : memref<!tpu.dma_semaphore, #tpu.memory_space<semaphore_mem>>
      %dma_start3A_28 = arith.constant 0 : i32
      %dma_start3A_29 = tpu.memref_slice %arg3[%add3A, %dma_start3A_28] : memref<32x32xi32, #tpu.memory_space<hbm>> -> memref<1x32xi32, #tpu.memory_space<hbm>>
      %dma_start3A_30 = tpu.memref_squeeze %dma_start3A_29 : memref<1x32xi32, #tpu.memory_space<hbm>> -> memref<32xi32, #tpu.memory_space<hbm>>
      %dma_start3A_31 = arith.constant 0 : i32
      %dma_start3A_32 = tpu.memref_slice %arg3[%add3A, %dma_start3A_31] : memref<32x32xi32, #tpu.memory_space<hbm>> -> memref<1x32xi32, #tpu.memory_space<hbm>>
      %dma_start3A_33 = tpu.memref_squeeze %dma_start3A_32 : memref<1x32xi32, #tpu.memory_space<hbm>> -> memref<32xi32, #tpu.memory_space<hbm>>
      tpu.enqueue_dma source(%dma_start3A_33 : memref<32xi32, #tpu.memory_space<hbm>>) target(%arg13 : memref<32xi32, #tpu.memory_space<vmem>>) target_semaphore(%run_scoped3A : memref<!tpu.dma_semaphore, #tpu.memory_space<semaphore_mem>>)
      %dma_wait3A_34 = arith.constant 0 : i32
      %dma_wait3A_35 = tpu.memref_slice %arg3[%add3A, %dma_wait3A_34] : memref<32x32xi32, #tpu.memory_space<hbm>> -> memref<1x32xi32, #tpu.memory_space<hbm>>
      %dma_wait3A_36 = tpu.memref_squeeze %dma_wait3A_35 : memref<1x32xi32, #tpu.memory_space<hbm>> -> memref<32xi32, #tpu.memory_space<hbm>>
      %dma_wait3A_37 = arith.constant 0 : i32
      %dma_wait3A_38 = tpu.memref_slice %arg3[%add3A, %dma_wait3A_37] : memref<32x32xi32, #tpu.memory_space<hbm>> -> memref<1x32xi32, #tpu.memory_space<hbm>>
      %dma_wait3A_39 = tpu.memref_squeeze %dma_wait3A_38 : memref<1x32xi32, #tpu.memory_space<hbm>> -> memref<32xi32, #tpu.memory_space<hbm>>
      tpu.wait_dma2 semaphore(%run_scoped3A : memref<!tpu.dma_semaphore, #tpu.memory_space<semaphore_mem>>) src(%dma_wait3A_39 : memref<32xi32, #tpu.memory_space<hbm>>) dst(%arg13 : memref<32xi32, #tpu.memory_space<vmem>>)
      tpu.yield
    }) : () -> ()
    %dma_start3A_21 = arith.constant 0 : i32
    %dma_start3A_22 = arith.constant 0 : i32
    %dma_start3A_23 = tpu.memref_slice %arg5[%dma_start3A_21, %dma_start3A_22] : memref<100001x128xf32, #tpu.memory_space<hbm>> -> memref<100001x128xf32, #tpu.memory_space<hbm>>
    tpu.enqueue_indirect_dma source(%dma_start3A_23 : memref<100001x128xf32, #tpu.memory_space<hbm>>) target(%arg14 : memref<32x128xf32, #tpu.memory_space<vmem>>) offsets(%arg13 : memref<32xi32, #tpu.memory_space<vmem>>) semaphore(%arg15 : memref<!tpu.dma_semaphore, #tpu.memory_space<semaphore_mem>>)
    %dma_wait3A = arith.constant 0 : i32
    %dma_wait3A_24 = arith.constant 0 : i32
    %dma_wait3A_25 = tpu.memref_slice %arg5[%dma_wait3A, %dma_wait3A_24] : memref<100001x128xf32, #tpu.memory_space<hbm>> -> memref<100001x128xf32, #tpu.memory_space<hbm>>
    tpu.wait_indirect_dma semaphore(%arg15 : memref<!tpu.dma_semaphore, #tpu.memory_space<semaphore_mem>>) src(%dma_wait3A_25 : memref<100001x128xf32, #tpu.memory_space<hbm>>) dst(%arg14 : memref<32x128xf32, #tpu.memory_space<vmem>>)
    %mul3A_26 = arith.constant 32 : i32
    %mul3A_27 = arith.muli %add3A, %mul3A_26 : i32
    "tpu.region"() ({
      %run_scoped3A = tpu.sem_alloc : memref<!tpu.dma_semaphore, #tpu.memory_space<semaphore_mem>>
      %dma_start3A_28 = arith.constant 0 : i32
      %dma_start3A_29 = tpu.memref_slice %arg7[%mul3A_27, %dma_start3A_28] : memref<1024x128xf32, #tpu.memory_space<hbm>> -> memref<32x128xf32, #tpu.memory_space<hbm>>
      %dma_start3A_30 = arith.constant 0 : i32
      %dma_start3A_31 = tpu.memref_slice %arg7[%mul3A_27, %dma_start3A_30] : memref<1024x128xf32, #tpu.memory_space<hbm>> -> memref<32x128xf32, #tpu.memory_space<hbm>>
      tpu.enqueue_dma source(%arg14 : memref<32x128xf32, #tpu.memory_space<vmem>>) target(%dma_start3A_31 : memref<32x128xf32, #tpu.memory_space<hbm>>) target_semaphore(%run_scoped3A : memref<!tpu.dma_semaphore, #tpu.memory_space<semaphore_mem>>)
      %dma_wait3A_32 = arith.constant 0 : i32
      %dma_wait3A_33 = tpu.memref_slice %arg7[%mul3A_27, %dma_wait3A_32] : memref<1024x128xf32, #tpu.memory_space<hbm>> -> memref<32x128xf32, #tpu.memory_space<hbm>>
      %dma_wait3A_34 = arith.constant 0 : i32
      %dma_wait3A_35 = tpu.memref_slice %arg7[%mul3A_27, %dma_wait3A_34] : memref<1024x128xf32, #tpu.memory_space<hbm>> -> memref<32x128xf32, #tpu.memory_space<hbm>>
      tpu.wait_dma2 semaphore(%run_scoped3A : memref<!tpu.dma_semaphore, #tpu.memory_space<semaphore_mem>>) src(%arg14 : memref<32x128xf32, #tpu.memory_space<vmem>>) dst(%dma_wait3A_35 : memref<32x128xf32, #tpu.memory_space<hbm>>)
      tpu.yield
    }) : () -> ()
    return
  }
}

module attributes {stable_mosaic.version = 14 : i64} {
  func.func @_proj_body(%arg0: i32, %arg1: memref<2048x1128xf32, #tpu.memory_space<vmem>>, %arg2: memref<2048x40xf32, #tpu.memory_space<vmem>>, %arg3: memref<1128x40xf32, #tpu.memory_space<vmem>>, %arg4: memref<1x40xf32, #tpu.memory_space<vmem>>, %arg5: memref<2048x128xf32, #tpu.memory_space<vmem>>) attributes {dimension_semantics = [#tpu.dimension_semantics<arbitrary>], iteration_bounds = array<i64: 49>, scalar_prefetch = 0 : i64, scratch_operands = 0 : i64, tpu.core_type = #tpu.core_type<tc>, window_params = [{transform_indices = @transform_0, window_bounds = array<i64: 2048, 1128>}, {transform_indices = @transform_1, window_bounds = array<i64: 2048, 40>}, {pipeline_mode = #tpu.pipeline_mode<synchronous>, transform_indices = @transform_2, window_bounds = array<i64: 1128, 40>}, {pipeline_mode = #tpu.pipeline_mode<synchronous>, transform_indices = @transform_3, window_bounds = array<i64: 1, 40>}, {transform_indices = @transform_4, window_bounds = array<i64: 2048, 128>}]} {
    %get3A = arith.constant 0 : index
    %get3A_0 = arith.constant 0 : index
    %get3A_1 = vector.load %arg1[%get3A, %get3A_0] : memref<2048x1128xf32, #tpu.memory_space<vmem>>, vector<2048x1128xf32>
    %get3A_2 = arith.constant 0 : index
    %get3A_3 = arith.constant 0 : index
    %get3A_4 = vector.load %arg3[%get3A_2, %get3A_3] : memref<1128x40xf32, #tpu.memory_space<vmem>>, vector<1128x40xf32>
    %dot_general3A = arith.constant dense<0.000000e+00> : vector<2048x40xf32>
    %dot_general3A_5 = tpu.matmul %get3A_1, %get3A_4, %dot_general3A {dimension_numbers = #tpu.dot_dimension_numbers<[1], [0], [0], [1], [0, 0, 1, 1], [], []>, transpose_lhs_hint = false} : vector<2048x1128xf32>, vector<1128x40xf32>, vector<2048x40xf32> -> vector<2048x40xf32>
    %get3A_6 = arith.constant 0 : index
    %get3A_7 = arith.constant 0 : index
    %get3A_8 = vector.load %arg4[%get3A_6, %get3A_7] : memref<1x40xf32, #tpu.memory_space<vmem>>, vector<1x40xf32>
    %add3A = vector.broadcast %get3A_8 : vector<1x40xf32> to vector<2048x40xf32>
    %add3A_9 = arith.addf %dot_general3A_5, %add3A : vector<2048x40xf32>
    %tanh3A = math.tanh %add3A_9 : vector<2048x40xf32>
    %mul3A = arith.constant 2048 : i32
    %mul3A_10 = arith.muli %arg0, %mul3A : i32
    %iota3A = tpu.iota {dimensions = array<i32: 0>} : vector<2048x1xi32>
    %add3A_11 = vector.broadcast %mul3A_10 : i32 to vector<2048x1xi32>
    %add3A_12 = arith.addi %add3A_11, %iota3A : vector<2048x1xi32>
    %eq3A = arith.constant 100000 : i32
    %eq3A_13 = vector.broadcast %eq3A : i32 to vector<2048x1xi32>
    %eq3A_14 = arith.cmpi eq, %add3A_12, %eq3A_13 : vector<2048x1xi32>
    %jit3A = arith.constant 0.000000e+00 : f32
    %broadcast_in_dim3A = vector.shape_cast %eq3A_14 : vector<2048x1xi1> to vector<2048x1xi1>
    %broadcast_in_dim3A_15 = vector.broadcast %broadcast_in_dim3A : vector<2048x1xi1> to vector<2048x40xi1>
    %broadcast_in_dim3A_16 = vector.broadcast %jit3A : f32 to vector<2048x40xf32>
    %select_n3A = arith.select %broadcast_in_dim3A_15, %broadcast_in_dim3A_16, %tanh3A : vector<2048x40xi1>, vector<2048x40xf32>
    %broadcast_in_dim3A_17 = arith.constant 0.000000e+00 : f32
    %broadcast_in_dim3A_18 = vector.broadcast %broadcast_in_dim3A_17 : f32 to vector<2048x48xf32>
    %get3A_19 = arith.constant 0 : index
    %get3A_20 = arith.constant 0 : index
    %get3A_21 = vector.load %arg2[%get3A_19, %get3A_20] : memref<2048x40xf32, #tpu.memory_space<vmem>>, vector<2048x40xf32>
    %concatenate3A = tpu.concatenate %select_n3A, %get3A_21, %broadcast_in_dim3A_18 in 1 : vector<2048x40xf32>, vector<2048x40xf32>, vector<2048x48xf32> -> vector<2048x128xf32>
    %swap3A = arith.constant 0 : index
    %swap3A_22 = arith.constant 0 : index
    %swap3A_23 = vector.load %arg5[%swap3A, %swap3A_22] : memref<2048x128xf32, #tpu.memory_space<vmem>>, vector<2048x128xf32>
    tpu.vector_store %arg5[%swap3A, %swap3A_22], %concatenate3A {strides = array<i32>} : memref<2048x128xf32, #tpu.memory_space<vmem>>, vector<2048x128xf32>,
    return
  }
  func.func @transform_0(%arg0: i32) -> (i32, i32) {
    %c0_i32 = arith.constant 0 : i32
    %c0_i32_0 = arith.constant 0 : i32
    return %arg0, %c0_i32 : i32, i32
  }
  func.func @transform_1(%arg0: i32) -> (i32, i32) {
    %c0_i32 = arith.constant 0 : i32
    %c0_i32_0 = arith.constant 0 : i32
    return %arg0, %c0_i32 : i32, i32
  }
  func.func @transform_2(%arg0: i32) -> (i32, i32) {
    %c0_i32 = arith.constant 0 : i32
    %c0_i32_0 = arith.constant 0 : i32
    %c0_i32_1 = arith.constant 0 : i32
    return %c0_i32, %c0_i32_0 : i32, i32
  }
  func.func @transform_3(%arg0: i32) -> (i32, i32) {
    %c0_i32 = arith.constant 0 : i32
    %c0_i32_0 = arith.constant 0 : i32
    %c0_i32_1 = arith.constant 0 : i32
    return %c0_i32, %c0_i32_0 : i32, i32
  }
  func.func @transform_4(%arg0: i32) -> (i32, i32) {
    %c0_i32 = arith.constant 0 : i32
    %c0_i32_0 = arith.constant 0 : i32
    return %arg0, %c0_i32 : i32, i32
  }
}

module attributes {stable_mosaic.version = 14 : i64} {
  func.func @_combine_body(%arg0: i32, %arg1: memref<128x128xf32, #tpu.memory_space<vmem>>, %arg2: memref<128x50xi32, #tpu.memory_space<vmem>>, %arg3: memref<128x50xf32, #tpu.memory_space<vmem>>, %arg4: memref<128x20xf32, #tpu.memory_space<vmem>>, %arg5: memref<128x1xi32, #tpu.memory_space<vmem>>, %arg6: memref<128x1xi32, #tpu.memory_space<vmem>>, %arg7: memref<128x20xf32, #tpu.memory_space<vmem>>, %arg8: memref<128x1000xf32, #tpu.memory_space<vmem>>, %arg9: memref<128x1128xf32, #tpu.memory_space<vmem>>, %arg10: memref<128x128xf32, #tpu.memory_space<vmem>>, %arg11: memref<20x35xf32, #tpu.memory_space<vmem>>, %arg12: memref<1x35xf32, #tpu.memory_space<vmem>>, %arg13: memref<100x10xf32, #tpu.memory_space<vmem>>, %arg14: memref<10x10xf32, #tpu.memory_space<vmem>>, %arg15: memref<1x10xf32, #tpu.memory_space<vmem>>, %arg16: memref<120x10xf32, #tpu.memory_space<vmem>>, %arg17: memref<10x10xf32, #tpu.memory_space<vmem>>, %arg18: memref<1x10xf32, #tpu.memory_space<vmem>>, %arg19: memref<20x20xf32, #tpu.memory_space<vmem>>, %arg20: memref<1x20xf32, #tpu.memory_space<vmem>>, %arg21: memref<1000x15xf32, #tpu.memory_space<vmem>>, %arg22: memref<1x15xf32, #tpu.memory_space<vmem>>, %arg23: memref<1128x35xf32, #tpu.memory_space<vmem>>, %arg24: memref<1x35xf32, #tpu.memory_space<vmem>>, %arg25: memref<40x40xf32, #tpu.memory_space<vmem>>, %arg26: memref<1x40xf32, #tpu.memory_space<vmem>>, %arg27: memref<128x1xf32, #tpu.memory_space<vmem>>) attributes {dimension_semantics = [#tpu.dimension_semantics<arbitrary>], iteration_bounds = array<i64: 8>, scalar_prefetch = 0 : i64, scratch_operands = 0 : i64, tpu.core_type = #tpu.core_type<tc>, window_params = [{transform_indices = @transform_0, window_bounds = array<i64: 128, 128>}, {transform_indices = @transform_1, window_bounds = array<i64: 128, 50>}, {transform_indices = @transform_2, window_bounds = array<i64: 128, 50>}, {transform_indices = @transform_3, window_bounds = array<i64: 128, 20>}, {transform_indices = @transform_4, window_bounds = array<i64: 128, 1>}, {transform_indices = @transform_5, window_bounds = array<i64: 128, 1>}, {transform_indices = @transform_6, window_bounds = array<i64: 128, 20>}, {transform_indices = @transform_7, window_bounds = array<i64: 128, 1000>}, {transform_indices = @transform_8, window_bounds = array<i64: 128, 1128>}, {transform_indices = @transform_9, window_bounds = array<i64: 128, 128>}, {pipeline_mode = #tpu.pipeline_mode<synchronous>, transform_indices = @transform_10, window_bounds = array<i64: 20, 35>}, {pipeline_mode = #tpu.pipeline_mode<synchronous>, transform_indices = @transform_11, window_bounds = array<i64: 1, 35>}, {pipeline_mode = #tpu.pipeline_mode<synchronous>, transform_indices = @transform_12, window_bounds = array<i64: 100, 10>}, {pipeline_mode = #tpu.pipeline_mode<synchronous>, transform_indices = @transform_13, window_bounds = array<i64: 10, 10>}, {pipeline_mode = #tpu.pipeline_mode<synchronous>, transform_indices = @transform_14, window_bounds = array<i64: 1, 10>}, {pipeline_mode = #tpu.pipeline_mode<synchronous>, transform_indices = @transform_15, window_bounds = array<i64: 120, 10>}, {pipeline_mode = #tpu.pipeline_mode<synchronous>, transform_indices = @transform_16, window_bounds = array<i64: 10, 10>}, {pipeline_mode = #tpu.pipeline_mode<synchronous>, transform_indices = @transform_17, window_bounds = array<i64: 1, 10>}, {pipeline_mode = #tpu.pipeline_mode<synchronous>, transform_indices = @transform_18, window_bounds = array<i64: 20, 20>}, {pipeline_mode = #tpu.pipeline_mode<synchronous>, transform_indices = @transform_19, window_bounds = array<i64: 1, 20>}, {pipeline_mode = #tpu.pipeline_mode<synchronous>, transform_indices = @transform_20, window_bounds = array<i64: 1000, 15>}, {pipeline_mode = #tpu.pipeline_mode<synchronous>, transform_indices = @transform_21, window_bounds = array<i64: 1, 15>}, {pipeline_mode = #tpu.pipeline_mode<synchronous>, transform_indices = @transform_22, window_bounds = array<i64: 1128, 35>}, {pipeline_mode = #tpu.pipeline_mode<synchronous>, transform_indices = @transform_23, window_bounds = array<i64: 1, 35>}, {pipeline_mode = #tpu.pipeline_mode<synchronous>, transform_indices = @transform_24, window_bounds = array<i64: 40, 40>}, {pipeline_mode = #tpu.pipeline_mode<synchronous>, transform_indices = @transform_25, window_bounds = array<i64: 1, 40>}, {transform_indices = @transform_26, window_bounds = array<i64: 128, 1>}]} {
    %get3A = arith.constant 0 : index
    %get3A_0 = arith.constant 0 : index
    %get3A_1 = vector.load %arg3[%get3A, %get3A_0] : memref<128x50xf32, #tpu.memory_space<vmem>>, vector<128x50xf32>
    %get3A_2 = arith.constant 0 : index
    %get3A_3 = arith.constant 0 : index
    %get3A_4 = vector.load %arg2[%get3A_2, %get3A_3] : memref<128x50xi32, #tpu.memory_space<vmem>>, vector<128x50xi32>
    %ne3A = arith.constant 100000 : i32
    %ne3A_5 = vector.broadcast %ne3A : i32 to vector<128x50xi32>
    %ne3A_6 = arith.cmpi ne, %get3A_4, %ne3A_5 : vector<128x50xi32>
    %convert_element_type3A = arith.extui %ne3A_6 : vector<128x50xi1> to vector<128x50xi32>
    %convert_element_type3A_7 = arith.sitofp %convert_element_type3A : vector<128x50xi32> to vector<128x50xf32>
    %mul3A = arith.mulf %get3A_1, %convert_element_type3A_7 : vector<128x50xf32>
    %abs3A = math.absf %mul3A : vector<128x50xf32>
    %reduce_sum3A = arith.constant dense<0.000000e+00> : vector<128xf32>
    %reduce_sum3A_8 = vector.multi_reduction <add>, %abs3A, %reduce_sum3A [1] : vector<128x50xf32> to vector<128xf32>
    %broadcast_in_dim3A = vector.shape_cast %reduce_sum3A_8 : vector<128xf32> to vector<128x1xf32>
    %jit3A = arith.constant 9.99999997E-7 : f32
    %max3A = vector.broadcast %jit3A : f32 to vector<128x1xf32>
    %max3A_9 = arith.maximumf %max3A, %broadcast_in_dim3A : vector<128x1xf32>
    %get3A_10 = arith.constant 0 : index
    %get3A_11 = arith.constant 0 : index
    %get3A_12 = vector.load %arg1[%get3A_10, %get3A_11] : memref<128x128xf32, #tpu.memory_space<vmem>>, vector<128x128xf32>
    %div3A = vector.broadcast %max3A_9 : vector<128x1xf32> to vector<128x128xf32>
    %div3A_13 = arith.divf %get3A_12, %div3A : vector<128x128xf32>
    %slice3A = vector.extract_strided_slice %div3A_13 {offsets = [0, 0], sizes = [128, 35], strides = [1, 1]} : vector<128x128xf32> to vector<128x35xf32>
    %slice3A_14 = vector.extract_strided_slice %div3A_13 {offsets = [0, 40], sizes = [128, 40], strides = [1, 1]} : vector<128x128xf32> to vector<128x40xf32>
    %get3A_15 = arith.constant 0 : index
    %get3A_16 = arith.constant 0 : index
    %get3A_17 = vector.load %arg4[%get3A_15, %get3A_16] : memref<128x20xf32, #tpu.memory_space<vmem>>, vector<128x20xf32>
    %get3A_18 = arith.constant 0 : index
    %get3A_19 = arith.constant 0 : index
    %get3A_20 = vector.load %arg11[%get3A_18, %get3A_19] : memref<20x35xf32, #tpu.memory_space<vmem>>, vector<20x35xf32>
    %dot_general3A = arith.constant dense<0.000000e+00> : vector<128x35xf32>
    %dot_general3A_21 = tpu.matmul %get3A_17, %get3A_20, %dot_general3A {dimension_numbers = #tpu.dot_dimension_numbers<[1], [0], [0], [1], [0, 0, 1, 1], [], []>, transpose_lhs_hint = false} : vector<128x20xf32>, vector<20x35xf32>, vector<128x35xf32> -> vector<128x35xf32>
    %get3A_22 = arith.constant 0 : index
    %get3A_23 = arith.constant 0 : index
    %get3A_24 = vector.load %arg12[%get3A_22, %get3A_23] : memref<1x35xf32, #tpu.memory_space<vmem>>, vector<1x35xf32>
    %add3A = vector.broadcast %get3A_24 : vector<1x35xf32> to vector<128x35xf32>
    %add3A_25 = arith.addf %dot_general3A_21, %add3A : vector<128x35xf32>
    %tanh3A = math.tanh %add3A_25 : vector<128x35xf32>
    %iota3A = tpu.iota {dimensions = array<i32: 1>} : vector<128x100xi32>
    %get3A_26 = arith.constant 0 : index
    %get3A_27 = arith.constant 0 : index
    %get3A_28 = vector.load %arg5[%get3A_26, %get3A_27] : memref<128x1xi32, #tpu.memory_space<vmem>>, vector<128x1xi32>
    %eq3A = vector.broadcast %get3A_28 : vector<128x1xi32> to vector<128x100xi32>
    %eq3A_29 = arith.cmpi eq, %iota3A, %eq3A : vector<128x100xi32>
    %convert_element_type3A_30 = arith.extui %eq3A_29 : vector<128x100xi1> to vector<128x100xi32>
    %convert_element_type3A_31 = arith.sitofp %convert_element_type3A_30 : vector<128x100xi32> to vector<128x100xf32>
    %get3A_32 = arith.constant 0 : index
    %get3A_33 = arith.constant 0 : index
    %get3A_34 = vector.load %arg13[%get3A_32, %get3A_33] : memref<100x10xf32, #tpu.memory_space<vmem>>, vector<100x10xf32>
    %dot_general3A_35 = arith.constant dense<0.000000e+00> : vector<128x10xf32>
    %dot_general3A_36 = tpu.matmul %convert_element_type3A_31, %get3A_34, %dot_general3A_35 {dimension_numbers = #tpu.dot_dimension_numbers<[1], [0], [0], [1], [0, 0, 1, 1], [], []>, transpose_lhs_hint = false} : vector<128x100xf32>, vector<100x10xf32>, vector<128x10xf32> -> vector<128x10xf32>
    %get3A_37 = arith.constant 0 : index
    %get3A_38 = arith.constant 0 : index
    %get3A_39 = vector.load %arg14[%get3A_37, %get3A_38] : memref<10x10xf32, #tpu.memory_space<vmem>>, vector<10x10xf32>
    %dot_general3A_40 = arith.constant dense<0.000000e+00> : vector<128x10xf32>
    %dot_general3A_41 = tpu.matmul %dot_general3A_36, %get3A_39, %dot_general3A_40 {dimension_numbers = #tpu.dot_dimension_numbers<[1], [0], [0], [1], [0, 0, 1, 1], [], []>, transpose_lhs_hint = false} : vector<128x10xf32>, vector<10x10xf32>, vector<128x10xf32> -> vector<128x10xf32>
    %get3A_42 = arith.constant 0 : index
    %get3A_43 = arith.constant 0 : index
    %get3A_44 = vector.load %arg15[%get3A_42, %get3A_43] : memref<1x10xf32, #tpu.memory_space<vmem>>, vector<1x10xf32>
    %add3A_45 = vector.broadcast %get3A_44 : vector<1x10xf32> to vector<128x10xf32>
    %add3A_46 = arith.addf %dot_general3A_41, %add3A_45 : vector<128x10xf32>
    %tanh3A_47 = math.tanh %add3A_46 : vector<128x10xf32>
    %iota3A_48 = tpu.iota {dimensions = array<i32: 1>} : vector<128x120xi32>
    %get3A_49 = arith.constant 0 : index
    %get3A_50 = arith.constant 0 : index
    %get3A_51 = vector.load %arg6[%get3A_49, %get3A_50] : memref<128x1xi32, #tpu.memory_space<vmem>>, vector<128x1xi32>
    %eq3A_52 = vector.broadcast %get3A_51 : vector<128x1xi32> to vector<128x120xi32>
    %eq3A_53 = arith.cmpi eq, %iota3A_48, %eq3A_52 : vector<128x120xi32>
    %convert_element_type3A_54 = arith.extui %eq3A_53 : vector<128x120xi1> to vector<128x120xi32>
    %convert_element_type3A_55 = arith.sitofp %convert_element_type3A_54 : vector<128x120xi32> to vector<128x120xf32>
    %get3A_56 = arith.constant 0 : index
    %get3A_57 = arith.constant 0 : index
    %get3A_58 = vector.load %arg16[%get3A_56, %get3A_57] : memref<120x10xf32, #tpu.memory_space<vmem>>, vector<120x10xf32>
    %dot_general3A_59 = arith.constant dense<0.000000e+00> : vector<128x10xf32>
    %dot_general3A_60 = tpu.matmul %convert_element_type3A_55, %get3A_58, %dot_general3A_59 {dimension_numbers = #tpu.dot_dimension_numbers<[1], [0], [0], [1], [0, 0, 1, 1], [], []>, transpose_lhs_hint = false} : vector<128x120xf32>, vector<120x10xf32>, vector<128x10xf32> -> vector<128x10xf32>
    %get3A_61 = arith.constant 0 : index
    %get3A_62 = arith.constant 0 : index
    %get3A_63 = vector.load %arg17[%get3A_61, %get3A_62] : memref<10x10xf32, #tpu.memory_space<vmem>>, vector<10x10xf32>
    %dot_general3A_64 = arith.constant dense<0.000000e+00> : vector<128x10xf32>
    %dot_general3A_65 = tpu.matmul %dot_general3A_60, %get3A_63, %dot_general3A_64 {dimension_numbers = #tpu.dot_dimension_numbers<[1], [0], [0], [1], [0, 0, 1, 1], [], []>, transpose_lhs_hint = false} : vector<128x10xf32>, vector<10x10xf32>, vector<128x10xf32> -> vector<128x10xf32>
    %get3A_66 = arith.constant 0 : index
    %get3A_67 = arith.constant 0 : index
    %get3A_68 = vector.load %arg18[%get3A_66, %get3A_67] : memref<1x10xf32, #tpu.memory_space<vmem>>, vector<1x10xf32>
    %add3A_69 = vector.broadcast %get3A_68 : vector<1x10xf32> to vector<128x10xf32>
    %add3A_70 = arith.addf %dot_general3A_65, %add3A_69 : vector<128x10xf32>
    %tanh3A_71 = math.tanh %add3A_70 : vector<128x10xf32>
    %get3A_72 = arith.constant 0 : index
    %get3A_73 = arith.constant 0 : index
    %get3A_74 = vector.load %arg7[%get3A_72, %get3A_73] : memref<128x20xf32, #tpu.memory_space<vmem>>, vector<128x20xf32>
    %get3A_75 = arith.constant 0 : index
    %get3A_76 = arith.constant 0 : index
    %get3A_77 = vector.load %arg19[%get3A_75, %get3A_76] : memref<20x20xf32, #tpu.memory_space<vmem>>, vector<20x20xf32>
    %dot_general3A_78 = arith.constant dense<0.000000e+00> : vector<128x20xf32>
    %dot_general3A_79 = tpu.matmul %get3A_74, %get3A_77, %dot_general3A_78 {dimension_numbers = #tpu.dot_dimension_numbers<[1], [0], [0], [1], [0, 0, 1, 1], [], []>, transpose_lhs_hint = false} : vector<128x20xf32>, vector<20x20xf32>, vector<128x20xf32> -> vector<128x20xf32>
    %get3A_80 = arith.constant 0 : index
    %get3A_81 = arith.constant 0 : index
    %get3A_82 = vector.load %arg20[%get3A_80, %get3A_81] : memref<1x20xf32, #tpu.memory_space<vmem>>, vector<1x20xf32>
    %add3A_83 = vector.broadcast %get3A_82 : vector<1x20xf32> to vector<128x20xf32>
    %add3A_84 = arith.addf %dot_general3A_79, %add3A_83 : vector<128x20xf32>
    %tanh3A_85 = math.tanh %add3A_84 : vector<128x20xf32>
    %get3A_86 = arith.constant 0 : index
    %get3A_87 = arith.constant 0 : index
    %get3A_88 = vector.load %arg8[%get3A_86, %get3A_87] : memref<128x1000xf32, #tpu.memory_space<vmem>>, vector<128x1000xf32>
    %get3A_89 = arith.constant 0 : index
    %get3A_90 = arith.constant 0 : index
    %get3A_91 = vector.load %arg21[%get3A_89, %get3A_90] : memref<1000x15xf32, #tpu.memory_space<vmem>>, vector<1000x15xf32>
    %dot_general3A_92 = arith.constant dense<0.000000e+00> : vector<128x15xf32>
    %dot_general3A_93 = tpu.matmul %get3A_88, %get3A_91, %dot_general3A_92 {dimension_numbers = #tpu.dot_dimension_numbers<[1], [0], [0], [1], [0, 0, 1, 1], [], []>, transpose_lhs_hint = false} : vector<128x1000xf32>, vector<1000x15xf32>, vector<128x15xf32> -> vector<128x15xf32>
    %get3A_94 = arith.constant 0 : index
    %get3A_95 = arith.constant 0 : index
    %get3A_96 = vector.load %arg22[%get3A_94, %get3A_95] : memref<1x15xf32, #tpu.memory_space<vmem>>, vector<1x15xf32>
    %add3A_97 = vector.broadcast %get3A_96 : vector<1x15xf32> to vector<128x15xf32>
    %add3A_98 = arith.addf %dot_general3A_93, %add3A_97 : vector<128x15xf32>
    %tanh3A_99 = math.tanh %add3A_98 : vector<128x15xf32>
    %get3A_100 = arith.constant 0 : index
    %get3A_101 = arith.constant 0 : index
    %get3A_102 = vector.load %arg9[%get3A_100, %get3A_101] : memref<128x1128xf32, #tpu.memory_space<vmem>>, vector<128x1128xf32>
    %get3A_103 = arith.constant 0 : index
    %get3A_104 = arith.constant 0 : index
    %get3A_105 = vector.load %arg23[%get3A_103, %get3A_104] : memref<1128x35xf32, #tpu.memory_space<vmem>>, vector<1128x35xf32>
    %dot_general3A_106 = arith.constant dense<0.000000e+00> : vector<128x35xf32>
    %dot_general3A_107 = tpu.matmul %get3A_102, %get3A_105, %dot_general3A_106 {dimension_numbers = #tpu.dot_dimension_numbers<[1], [0], [0], [1], [0, 0, 1, 1], [], []>, transpose_lhs_hint = false} : vector<128x1128xf32>, vector<1128x35xf32>, vector<128x35xf32> -> vector<128x35xf32>
    %get3A_108 = arith.constant 0 : index
    %get3A_109 = arith.constant 0 : index
    %get3A_110 = vector.load %arg24[%get3A_108, %get3A_109] : memref<1x35xf32, #tpu.memory_space<vmem>>, vector<1x35xf32>
    %add3A_111 = vector.broadcast %get3A_110 : vector<1x35xf32> to vector<128x35xf32>
    %add3A_112 = arith.addf %dot_general3A_107, %add3A_111 : vector<128x35xf32>
    %tanh3A_113 = math.tanh %add3A_112 : vector<128x35xf32>
    %get3A_114 = arith.constant 0 : index
    %get3A_115 = arith.constant 0 : index
    %get3A_116 = vector.load %arg10[%get3A_114, %get3A_115] : memref<128x128xf32, #tpu.memory_space<vmem>>, vector<128x128xf32>
    %slice3A_117 = vector.extract_strided_slice %get3A_116 {offsets = [0, 40], sizes = [128, 40], strides = [1, 1]} : vector<128x128xf32> to vector<128x40xf32>
    %get3A_118 = arith.constant 0 : index
    %get3A_119 = arith.constant 0 : index
    %get3A_120 = vector.load %arg25[%get3A_118, %get3A_119] : memref<40x40xf32, #tpu.memory_space<vmem>>, vector<40x40xf32>
    %dot_general3A_121 = arith.constant dense<0.000000e+00> : vector<128x40xf32>
    %dot_general3A_122 = tpu.matmul %slice3A_117, %get3A_120, %dot_general3A_121 {dimension_numbers = #tpu.dot_dimension_numbers<[1], [0], [0], [1], [0, 0, 1, 1], [], []>, transpose_lhs_hint = false} : vector<128x40xf32>, vector<40x40xf32>, vector<128x40xf32> -> vector<128x40xf32>
    %get3A_123 = arith.constant 0 : index
    %get3A_124 = arith.constant 0 : index
    %get3A_125 = vector.load %arg26[%get3A_123, %get3A_124] : memref<1x40xf32, #tpu.memory_space<vmem>>, vector<1x40xf32>
    %add3A_126 = vector.broadcast %get3A_125 : vector<1x40xf32> to vector<128x40xf32>
    %add3A_127 = arith.addf %dot_general3A_122, %add3A_126 : vector<128x40xf32>
    %tanh3A_128 = math.tanh %add3A_127 : vector<128x40xf32>
    %concatenate3A = tpu.concatenate %slice3A_14, %slice3A, %tanh3A, %tanh3A_47 in 1 : vector<128x40xf32>, vector<128x35xf32>, vector<128x35xf32>, vector<128x10xf32> -> vector<128x120xf32>
    %concatenate3A_129 = tpu.concatenate %tanh3A_85, %tanh3A_99, %tanh3A_113, %tanh3A_128, %tanh3A_71 in 1 : vector<128x20xf32>, vector<128x15xf32>, vector<128x35xf32>, vector<128x40xf32>, vector<128x10xf32> -> vector<128x120xf32>
    %mul3A_130 = arith.mulf %concatenate3A, %concatenate3A_129 : vector<128x120xf32>
    %reduce_sum3A_131 = arith.constant dense<0.000000e+00> : vector<128xf32>
    %reduce_sum3A_132 = vector.multi_reduction <add>, %mul3A_130, %reduce_sum3A_131 [1] : vector<128x120xf32> to vector<128xf32>
    %broadcast_in_dim3A_133 = vector.shape_cast %reduce_sum3A_132 : vector<128xf32> to vector<128x1xf32>
    %swap3A = arith.constant 0 : index
    %swap3A_134 = arith.constant 0 : index
    %swap3A_135 = vector.load %arg27[%swap3A, %swap3A_134] : memref<128x1xf32, #tpu.memory_space<vmem>>, vector<128x1xf32>
    tpu.vector_store %arg27[%swap3A, %swap3A_134], %broadcast_in_dim3A_133 {strides = array<i32>} : memref<128x1xf32, #tpu.memory_space<vmem>>, vector<128x1xf32>,
    return
  }
  func.func @transform_0(%arg0: i32) -> (i32, i32) {
    %c0_i32 = arith.constant 0 : i32
    %c0_i32_0 = arith.constant 0 : i32
    return %arg0, %c0_i32 : i32, i32
  }
  func.func @transform_1(%arg0: i32) -> (i32, i32) {
    %c0_i32 = arith.constant 0 : i32
    %c0_i32_0 = arith.constant 0 : i32
    return %arg0, %c0_i32 : i32, i32
  }
  func.func @transform_2(%arg0: i32) -> (i32, i32) {
    %c0_i32 = arith.constant 0 : i32
    %c0_i32_0 = arith.constant 0 : i32
    return %arg0, %c0_i32 : i32, i32
  }
  func.func @transform_3(%arg0: i32) -> (i32, i32) {
    %c0_i32 = arith.constant 0 : i32
    %c0_i32_0 = arith.constant 0 : i32
    return %arg0, %c0_i32 : i32, i32
  }
  func.func @transform_4(%arg0: i32) -> (i32, i32) {
    %c0_i32 = arith.constant 0 : i32
    %c0_i32_0 = arith.constant 0 : i32
    return %arg0, %c0_i32 : i32, i32
  }
  func.func @transform_5(%arg0: i32) -> (i32, i32) {
    %c0_i32 = arith.constant 0 : i32
    %c0_i32_0 = arith.constant 0 : i32
    return %arg0, %c0_i32 : i32, i32
  }
  func.func @transform_6(%arg0: i32) -> (i32, i32) {
    %c0_i32 = arith.constant 0 : i32
    %c0_i32_0 = arith.constant 0 : i32
    return %arg0, %c0_i32 : i32, i32
  }
  func.func @transform_7(%arg0: i32) -> (i32, i32) {
    %c0_i32 = arith.constant 0 : i32
    %c0_i32_0 = arith.constant 0 : i32
    return %arg0, %c0_i32 : i32, i32
  }
  func.func @transform_8(%arg0: i32) -> (i32, i32) {
    %c0_i32 = arith.constant 0 : i32
    %c0_i32_0 = arith.constant 0 : i32
    return %arg0, %c0_i32 : i32, i32
  }
  func.func @transform_9(%arg0: i32) -> (i32, i32) {
    %c0_i32 = arith.constant 0 : i32
    %c0_i32_0 = arith.constant 0 : i32
    return %arg0, %c0_i32 : i32, i32
  }
  func.func @transform_10(%arg0: i32) -> (i32, i32) {
    %c0_i32 = arith.constant 0 : i32
    %c0_i32_0 = arith.constant 0 : i32
    %c0_i32_1 = arith.constant 0 : i32
    return %c0_i32, %c0_i32_0 : i32, i32
  }
  func.func @transform_11(%arg0: i32) -> (i32, i32) {
    %c0_i32 = arith.constant 0 : i32
    %c0_i32_0 = arith.constant 0 : i32
    %c0_i32_1 = arith.constant 0 : i32
    return %c0_i32, %c0_i32_0 : i32, i32
  }
  func.func @transform_12(%arg0: i32) -> (i32, i32) {
    %c0_i32 = arith.constant 0 : i32
    %c0_i32_0 = arith.constant 0 : i32
    %c0_i32_1 = arith.constant 0 : i32
    return %c0_i32, %c0_i32_0 : i32, i32
  }
  func.func @transform_13(%arg0: i32) -> (i32, i32) {
    %c0_i32 = arith.constant 0 : i32
    %c0_i32_0 = arith.constant 0 : i32
    %c0_i32_1 = arith.constant 0 : i32
    return %c0_i32, %c0_i32_0 : i32, i32
  }
  func.func @transform_14(%arg0: i32) -> (i32, i32) {
    %c0_i32 = arith.constant 0 : i32
    %c0_i32_0 = arith.constant 0 : i32
    %c0_i32_1 = arith.constant 0 : i32
    return %c0_i32, %c0_i32_0 : i32, i32
  }
  func.func @transform_15(%arg0: i32) -> (i32, i32) {
    %c0_i32 = arith.constant 0 : i32
    %c0_i32_0 = arith.constant 0 : i32
    %c0_i32_1 = arith.constant 0 : i32
    return %c0_i32, %c0_i32_0 : i32, i32
  }
  func.func @transform_16(%arg0: i32) -> (i32, i32) {
    %c0_i32 = arith.constant 0 : i32
    %c0_i32_0 = arith.constant 0 : i32
    %c0_i32_1 = arith.constant 0 : i32
    return %c0_i32, %c0_i32_0 : i32, i32
  }
  func.func @transform_17(%arg0: i32) -> (i32, i32) {
    %c0_i32 = arith.constant 0 : i32
    %c0_i32_0 = arith.constant 0 : i32
    %c0_i32_1 = arith.constant 0 : i32
    return %c0_i32, %c0_i32_0 : i32, i32
  }
  func.func @transform_18(%arg0: i32) -> (i32, i32) {
    %c0_i32 = arith.constant 0 : i32
    %c0_i32_0 = arith.constant 0 : i32
    %c0_i32_1 = arith.constant 0 : i32
    return %c0_i32, %c0_i32_0 : i32, i32
  }
  func.func @transform_19(%arg0: i32) -> (i32, i32) {
    %c0_i32 = arith.constant 0 : i32
    %c0_i32_0 = arith.constant 0 : i32
    %c0_i32_1 = arith.constant 0 : i32
    return %c0_i32, %c0_i32_0 : i32, i32
  }
  func.func @transform_20(%arg0: i32) -> (i32, i32) {
    %c0_i32 = arith.constant 0 : i32
    %c0_i32_0 = arith.constant 0 : i32
    %c0_i32_1 = arith.constant 0 : i32
    return %c0_i32, %c0_i32_0 : i32, i32
  }
  func.func @transform_21(%arg0: i32) -> (i32, i32) {
    %c0_i32 = arith.constant 0 : i32
    %c0_i32_0 = arith.constant 0 : i32
    %c0_i32_1 = arith.constant 0 : i32
    return %c0_i32, %c0_i32_0 : i32, i32
  }
  func.func @transform_22(%arg0: i32) -> (i32, i32) {
    %c0_i32 = arith.constant 0 : i32
    %c0_i32_0 = arith.constant 0 : i32
    %c0_i32_1 = arith.constant 0 : i32
    return %c0_i32, %c0_i32_0 : i32, i32
  }
  func.func @transform_23(%arg0: i32) -> (i32, i32) {
    %c0_i32 = arith.constant 0 : i32
    %c0_i32_0 = arith.constant 0 : i32
    %c0_i32_1 = arith.constant 0 : i32
    return %c0_i32, %c0_i32_0 : i32, i32
  }
  func.func @transform_24(%arg0: i32) -> (i32, i32) {
    %c0_i32 = arith.constant 0 : i32
    %c0_i32_0 = arith.constant 0 : i32
    %c0_i32_1 = arith.constant 0 : i32
    return %c0_i32, %c0_i32_0 : i32, i32
  }
  func.func @transform_25(%arg0: i32) -> (i32, i32) {
    %c0_i32 = arith.constant 0 : i32
    %c0_i32_0 = arith.constant 0 : i32
    %c0_i32_1 = arith.constant 0 : i32
    return %c0_i32, %c0_i32_0 : i32, i32
  }
  func.func @transform_26(%arg0: i32) -> (i32, i32) {
    %c0_i32 = arith.constant 0 : i32
    %c0_i32_0 = arith.constant 0 : i32
    return %arg0, %c0_i32 : i32, i32
  }
}

</mosaic_0001>

<sc_bundles>
// kernel: kernel.5.cloned.1.call-start
scs
__scs_entry_jumppad:
0x0: {  	(pc) =	sbr.rel $0x88, $3  }
0x1: {  	(tag) =	ssettag $0x0;
	lr =	simm.s32 $0x1  }
0x2: {  	[smem:$0x3F86] =	sst lr;
	_ =	strace $0xD0000000  }
0x3: {  	_ = 	snop  }
0x4: {  	_ = 	snop  }
0x5: {  	_ = 	snop  }
0x6: {  	_ = 	snop  }
0x7: {  	_ = 	snop  }
__scs_overlays_trampoline_lowered:
0x8: {  	[smem:$0x3F95] =	sst s0  }
0x9: {  	[smem:$0x3F96] =	sst s1  }
0xa: {  	[smem:$0x3F97] =	sst s2  }
0xb: {  	[smem:$0x3F98] =	sst s3  }
0xc: {  	[smem:$0x3F99] =	sst s4  }
0xd: {  	[smem:$0x3F9A] =	sst s5  }
0xe: {  	[smem:$0x3F9B] =	sst s6  }
0xf: {  	[smem:$0x3F9C] =	sst s7  }
0x10: {  	[smem:$0x3F9D] =	sst s8  }
0x11: {  	[smem:$0x3F9E] =	sst s9;
	s0 =	simm.s32 @!p0 $0x0  }
0x12: {  	s1 =	sld [smem:$0x3F84];
	s0 =	simm.s32 @p0 $0x1  }
0x13: {  	[smem:$0x3F9F] =	sst s0;
	s0 =	simm.s32 @!p1 $0x0  }
0x14: {  	s2 =	sld [smem:$0x3F83];
	s0 =	simm.s32 @p1 $0x1  }
0x15: {  	[smem:$0x3FA0] =	sst s0;
	s0 =	simm.s32 @!p2 $0x0  }
0x16: {  	s3 =	sld [smem:$0x3FDB];
	s0 =	simm.s32 @p2 $0x1  }
0x17: {  	s4 =	simm.s32 $0x1BF5;
	[smem:$0x3FA2] =	sst s0  }
0x18: {  	s0 =	sld [smem:$0x3F85];
	_ =	swait.ge [sflag:s4], $0x0  }
0x19: {  	s7 =	sld [smem:$0x3F86]  }
0x1a: {  	s8 =	sadd.s32 $0xFFFFE003, lr  }
0x1b: {  	s9 =	sadd.s32 $0xFFFFFEF7, lr;
	s5 =	simm.s32 $0xFFFFFFFF;
	p2 =	slt.u32 s8, $0xFFFFF086  }
0x1c: {  	p1 =	slt.u32 s9, $0xF7A;
	s5 =	simm.s32 @!p2 $0x0  }
0x1d: {  	s5 =	simm.s32 @p1 $0x1;
	p0 =	seq.s32 s7, s2  }
0x1e: {  	s7 =	smul.u32 @!p0 $0xF7A, s2;
	p2 =	seq.s32 @!p0 s5, $0x0  }
0x1f: {  	s9 =	smul.u32 $0xF7A, s1;
	s8 =	simm.s32 @!p0 $0x1BF5;
	p2 =	por !p2, p0  }
0x20: {  	[sflag:s8] =	ssyncset.s32 @!p0 $0xFFFFF086;
	s6 =	sadd.s32 @!p0 s3, s7;
	s7 =	simm.s32 @!p0 $0x108  }
0x21: {  	s3 =	sadd.s32 s3, s9;
	s6 =	sadd.s32 @!p0 $0x88, s6;
	s7 =	simm.s32 @p2 $0x1082  }
0x22: {  	[simem:s7], [sflag:s8] =	dma.local @!p0 [hbm:s6], $0xF7A  }
0x23: {  	s9 =	sor.u32 $0xD0000000, s2;
	s6 =	simm.s32 $0x108;
	_ =	swait.ge @!p0 [sflag:s8], $0x0  }
0x24: {  	s3 =	sadd.s32 $0x88, s3;
	s6 =	simm.s32 @!p1 $0x1082;
	[sflag:s4] =	ssyncset.s32 $0xFFFFF086  }
0x25: {  	[simem:s6], [sflag:s4] =	dma.local [hbm:s3], $0xF7A  }
0x26: {  	[smem:$0x3F86] =	sst s1;
	(tag) =	ssettag s2;
	_ =	strace s9  }
0x27: {  	s1 =	sld [smem:$0x3F96]  }
0x28: {  	s2 =	sld [smem:$0x3F97]  }
0x29: {  	s4 =	sld [smem:$0x3F99]  }
0x2a: {  	p0 =	seq.s32 s5, $0x0;
	s5 =	sld [smem:$0x3F9A]  }
0x2b: {  	s6 =	sld [smem:$0x3F9B]  }
0x2c: {  	s7 =	sld [smem:$0x3F9C]  }
0x2d: {  	s3 =	simm.s32 $0x108;
	s8 =	sld [smem:$0x3F9D]  }
0x2e: {  	s3 =	simm.s32 @!p0 $0x1082;
	s9 =	sld [smem:$0x3F9E]  }
0x2f: {  	lr =	sadd.s32 s0, s3;
	s0 =	sld [smem:$0x3F95]  }
0x30: {  	s3 =	sld [smem:$0x3F98]  }
0x31: {  	[smem:$0x3FA1] =	sst s10  }
0x32: {  	s10 =	sld [smem:$0x3F9F];
	_ =	sdelay $0x3  }
0x33: {  	p0 =	seq.s32 s10, $0x1;
	s10 =	sld [smem:$0x3FA1];
	_ =	sdelay $0x3  }
0x34: {  	[smem:$0x3FA1] =	sst s10  }
0x35: {  	s10 =	sld [smem:$0x3FA0];
	_ =	sdelay $0x3  }
0x36: {  	p1 =	seq.s32 s10, $0x1;
	s10 =	sld [smem:$0x3FA1];
	_ =	sdelay $0x3  }
0x37: {  	[smem:$0x3FA1] =	sst s10  }
0x38: {  	s10 =	sld [smem:$0x3FA2]  }
0x39: {  	_ = 	snop;
	(pc) =	sbr.ind lr, $3  }
0x3a: {  	_ = 	snop  }
0x3b: {  	_ = 	snop  }
0x3c: {  	p2 =	seq.s32 s10, $0x1;
	s10 =	sld [smem:$0x3FA1]  }
0x3d: {  	_ =	shalt  }
0x3e: {  	_ =	shalt  }
0x3f: {  	_ =	shalt  }
0x40: {  	_ =	shalt  }
0x41: {  	_ =	shalt  }
0x42: {  	_ =	shalt  }
0x43: {  	_ =	shalt  }
0x44: {  	_ =	shalt  }
0x45: {  	_ =	shalt  }
0x46: {  	_ =	shalt  }
0x47: {  	_ =	shalt  }
0x48: {  	_ =	shalt  }
0x49: {  	_ =	shalt  }
0x4a: {  	_ =	shalt  }
0x4b: {  	_ =	shalt  }
0x4c: {  	_ =	shalt  }
0x4d: {  	_ =	shalt  }
0x4e: {  	_ =	shalt  }
0x4f: {  	_ =	shalt  }
0x50: {  	_ =	shalt  }
0x51: {  	_ =	shalt  }
0x52: {  	_ =	shalt  }
0x53: {  	_ =	shalt  }
0x54: {  	_ =	shalt  }
0x55: {  	_ =	shalt  }
0x56: {  	_ =	shalt  }
0x57: {  	_ =	shalt  }
0x58: {  	_ =	shalt  }
0x59: {  	_ =	shalt  }
0x5a: {  	_ =	shalt  }
0x5b: {  	_ =	shalt  }
0x5c: {  	_ =	shalt  }
0x5d: {  	_ =	shalt  }
0x5e: {  	_ =	shalt  }
0x5f: {  	_ =	shalt  }
0x60: {  	_ =	shalt  }
0x61: {  	_ =	shalt  }
0x62: {  	_ =	shalt  }
0x63: {  	_ =	shalt  }
0x64: {  	_ =	shalt  }
0x65: {  	_ =	shalt  }
0x66: {  	_ =	shalt  }
0x67: {  	_ =	shalt  }
0x68: {  	_ =	shalt  }
0x69: {  	_ =	shalt  }
0x6a: {  	_ =	shalt  }
0x6b: {  	_ =	shalt  }
0x6c: {  	_ =	shalt  }
0x6d: {  	_ =	shalt  }
0x6e: {  	_ =	shalt  }
0x6f: {  	_ =	shalt  }
0x70: {  	_ =	shalt  }
0x71: {  	_ =	shalt  }
0x72: {  	_ =	shalt  }
0x73: {  	_ =	shalt  }
0x74: {  	_ =	shalt  }
0x75: {  	_ =	shalt  }
0x76: {  	_ =	shalt  }
0x77: {  	_ =	shalt  }
0x78: {  	_ =	shalt  }
0x79: {  	_ =	shalt  }
0x7a: {  	_ =	shalt  }
0x7b: {  	_ =	shalt  }
0x7c: {  	_ =	shalt  }
0x7d: {  	_ =	shalt  }
0x7e: {  	_ =	shalt  }
0x7f: {  	_ =	shalt  }
0x80: {  	_ =	shalt  }
0x81: {  	_ =	shalt  }
0x82: {  	_ =	shalt  }
0x83: {  	_ =	shalt  }
0x84: {  	_ =	shalt  }
0x85: {  	_ =	shalt  }
0x86: {  	_ =	shalt  }
0x87: {  	_ =	shalt  }
.Lfunc_end0:
.L_simem_size_0:
called_computation_lowered:
.L_overlay_start_0:
0x88: {  	s2 =	sld [smem:$0x3FD9]  }
0x89: {  	s3 =	sld [smem:$0x3FFE];
	_ =	sdelay $0x1  }
0x8a: {  	s1 =	srdreg.scid  }
0x8b: {  	s0 =	sand.u32 $0x1, s1  }
0x8c: {  	s16 =	sshll.u32 s0, $0xA;
	s2 =	sadd.s32 s3, s2  }
0x8d: {  	s2 =	sadd.s32 s2, s16  }
0x8e: {  	[smem:$0x3FAD] =	sst s2  }
0x8f: {  	_ = 	snop  }
0x90: {  	(tm) =	ssettm $0x1  }
0x91: {  	s17 =	sld [smem:$0x3FFB];
	_ =	sdelay $0x3  }
0x92: {  	_ =	strace s17  }
0x93: {  	s2 =	sld [smem:$0x3FFC];
	_ =	sdelay $0x3  }
0x94: {  	_ =	strace s2  }
0x95: {  	s2 =	sld [smem:$0x3FFD];
	_ =	sdelay $0x3  }
0x96: {  	_ =	strace s2  }
0x97: {  	_ =	strace $0x8FFFFFFF  }
0x98: {  	s18 =	sld [smem:$0x3FDB];
	_ =	sdelay $0x1  }
0x99: {  	s19 =	simm.s32 $_scs_section_size  }
0x9a: {  	s4 =	simm.s32 $_size__tile_overlayer_lowered;
	s5 =	simm.s32 $_tile_overlayer_lowered  }
0x9b: {  	s22 =	simm.s32 $0x1BFF;
	s21 =	sshll.u32 s5, $0x1;
	s2 =	sadd.s32 s19, s18  }
0x9c: {  	s6 =	simm.s32 $0x0;
	s20 =	sshll.u32 s4, $0x1;
	s4 =	sadd.s32 s21, s2  }
0x9d: {  	[timem:s6], [sflag:s22] =	dma.local [hbm:s4], s20  }
0x9e: {  	_ =	swait.ge [sflag:s22], s20  }
0x9f: {  	s3 =	ssub.s32 $0x0, s20;
	[sflag:s22] =	ssyncset.done $0x0  }
0xa0: {  	[sflag:s22] =	ssyncadd.s32 s3;
	_ =	sdelay $0x1  }
0xa1: {  	s23 =	simm.s32 $0x1B8B  }
0xa2: {  	_ =	swait.ge [sflag:s23], $0x1  }
0xa3: {  	[sflag:s23] =	ssyncset.done $0x0  }
0xa4: {  	s25 =	simm.s32 $0x1B8E;
	s24 =	sld [smem:$0x3FFE];
	[sflag:s23] =	ssyncadd.s32 $0xFFFFFFFF  }
0xa5: {  	s26 =	simm.s32 $execute0_lowered;
	[smem:$0x3FD2] =	sst s25  }
0xa6: {  	s4 =	sshll.u32 s26, $0x1;
	_ =	strace $0x80000046;
	[dreg:$0x1] =	wrdreg $0xFFFFFFFF  }
0xa7: {  	s28 =	simm.s32 $_size_execute0_lowered;
	s2 =	sadd.s32 s2, s4;
	[dreg:$0x0] =	wrdreg $0x0  }
0xa8: {  	s4 =	sshll.u32 s28, $0x1;
	[dreg:$0x2] =	wrdreg s2  }
0xa9: {  	[dreg:$0x3] =	wrdreg s4  }
0xaa: {  	[dreg:$0x4] =	wrdreg $0xC0  }
0xab: {  	_ =	task [dreg:s6], $0x5FFFF  }
0xac: {  	[dreg:$0x1] =	wrdreg $0xFFFFFFFF  }
0xad: {  	[dreg:$0x0] =	wrdreg $0x60  }
0xae: {  	[dreg:$0x2] =	wrdreg s24  }
0xaf: {  	[dreg:$0x3] =	wrdreg $0x9  }
0xb0: {  	_ =	task.clear_ibuf [dreg:s6], $0x4FFFF;
	_ =	strace $0x90000046  }
0xb1: {  	s29 =	simm.s32 $0x9;
	_ =	strace $0x80000048  }
0xb2: {  	_ =	swait.ge [sflag:s29], $0x1  }
0xb3: {  	[sflag:s29] =	ssyncadd.s32 $0xFFFFFFFF  }
0xb4: {  	_ =	strace $0x90000048  }
0xb5: {  	_ =	sfence  }
0xb6: {  	s30 =	sld [smem:$0x0];
	_ =	sdelay $0x2  }
0xb7: {  	s31 =	sshll.u32 s1, $0xD;
	s1 =	sshrl.u32 s1, $0x2  }
0xb8: {  	s3 =	sand.u32 $0x4000, s31;
	s1 =	sadd.s32 s1, s30  }
0xb9: {  	s0 =	sor.u32 s3, s0;
	s1 =	sshll.u32 s1, $0x11  }
0xba: {  	s0 =	sor.u32 s1, s0  }
0xbb: {  	s0 =	sadd.s32 $0x8F2B, s0  }
0xbc: {  	[sflag:s0] =	ssyncadd.remote.s32 $0x1  }
0xbd: {  	_ =	sfence.sel $0xFFFF  }
0xbe: {  	[dreg:$0x0] =	wrdreg $0xFFFFFFFF;
	(pc) =	sbr.abs _section_cstart, $3  }
0xbf: {  	[dreg:$0x1] =	wrdreg $0xFFFFFFFF  }
0xc0: {  	_ =	task.clear_ibuf [dreg:s6], $0x2FFFF;
	_ =	strace $0x9FFFFFFF  }
0xc1: {  	(tm) =	ssettm $0x7FFFFFFF  }
tec
execute0_lowered:
.L_overlay_start_1:
0x0: {  	(tag) =	ssettag $0x1  }
0x1: {  	s0 =	rddreg [dreg:$0x0]  }
0x2: {  	s2 =	srdreg.scid;
	s1 =	stileid.u32  }
0x3: {  	s10 =	simm.s32 $0x3;
	s11 =	simm.s32 $0x80;
	s12 =	simm.s32 $0x400  }
0x4: {  	s13 =	simm.s32 $0x64;
	s14 =	simm.s32 $0x6C00;
	s15 =	simm.s32 $0xA000  }
0x5: {  	s16 =	simm.s32 $0x1;
	s17 =	simm.s32 $0x2;
	s18 =	simm.s32 $0xD400  }
0x6: {  	s19 =	simm.s32 $0xE400;
	s20 =	simm.s32 $0x20;
	s21 =	simm.s32 $0xE480  }
0x7: {  	s22 =	simm.s32 $0x0;
	s3 =	sand.u32 $0x1, s2;
	s4 =	sshll.u32 s1, $0x1  }
0x8: {  	s2 =	simm.s32 $0x0;
	s5 =	sshrl.u32 s1, $0x2;
	s4 =	sor.u32 s3, s4  }
0x9: {  	[smem:$0x7FF] =	sst s2;
	s7 =	smul.u32 $0x32000, s5;
	s5 =	sshll.u32 s5, $0xA  }
0xa: {  	s31 =	ssub.s32 $0x2, s3;
	s3 =	sadd.s32 $0xF73200, s0;
	s6 =	sshll.u32 s4, $0x7  }
0xb: {  	_ =	strace $0x80000047;
	s8 =	sshll.u32 s4, $0x8;
	s4 =	sshll.u32 s4, $0x9  }
0xc: {  	s9 =	sshrl.u32 s31, $0x1;
	s6 =	sand.u32 $0x380, s6;
	s28 =	sadd.s32 s8, s0  }
.Ltmp0:
0xd: {  	s5 =	sor.u32 s5, s6;
	s6 =	sor.u32 s7, s6;
	(pc) =	sbr.rel .LBB2_1-.Ltmp0, $4  }
0xe: {  	s9 =	ssub.s32 s31, s9;
	s5 =	sshrl.u32 s5, $0x3;
	s6 =	sshrl.u32 s6, $0x3  }
0xf: {  	s9 =	smax.u32 s9, $0x1;
	s29 =	sadd.s32 s5, s0;
	s30 =	sadd.s32 s6, s0  }
0x10: {  	s0 =	sadd.s32 s4, s0;
	s4 =	sadd.s32 $0xF6D000, s28;
	s5 =	sadd.s32 $0xF54000, s30  }
0x11: {  	s6 =	sadd.s32 $0x8C00, s0;
	s7 =	sadd.s32 $0xF73000, s29;
	s8 =	sadd.s32 $0xCC00, s0  }
.LBB2_12:
0x12: {  	[hbm4b:s6+s2] =	stream.linear.scatter [tilespmem:s18], [sflag:$0x3], $0x1000, $0x38;
	[tilespmem:$0xF480] =	vst v63  }
0x13: {  	_ =	swait.ge [sflag:s10], $0x1000  }
0x14: {  	[sflag:s10] =	ssyncset.done $0x0  }
0x15: {  	[sflag:s10] =	ssyncadd.s32 $0xFFFFF000  }
0x16: {  	[tilespmem:s19], [sflag:$0x3] =	stream.linear.gather [hbm4b:s7+s2], $0x80, $0x38;
	[tilespmem:$0xF480] =	vst v63  }
0x17: {  	_ =	swait.ge [sflag:s10], $0x80  }
0x18: {  	[sflag:s10] =	ssyncset.done $0x0  }
0x19: {  	[sflag:s10] =	ssyncadd.s32 $0xFFFFFF80  }
0x1a: {  	[tilespmem:s21], [sflag:$0x1] =	stream.indirect.gather [hbm4b:s3+s20], $0x80, s19, s20, $0xb8;
	[tilespmem:$0xF480] =	vst v63  }
0x1b: {  	s22 =	sadd.s32 $0x1, s22;
	_ =	swait.ge [sflag:s16], $0x1000  }
0x1c: {  	p0 =	sne.s32 s22, s9;
	[sflag:s16] =	ssyncset.done $0x0  }
.Ltmp1:
0x1d: {  	[sflag:s16] =	ssyncadd.s32 $0xFFFFF000;
	(pc) =	sbr.rel @!p0 .LBB2_13-.Ltmp1, $4  }
0x1e: {  	[hbm4b:s8+s2] =	stream.linear.scatter [tilespmem:s21], [sflag:$0x3], $0x1000, $0x38;
	[tilespmem:$0xF480] =	vst v63  }
0x1f: {  	_ =	swait.ge [sflag:s10], $0x1000  }
0x20: {  	[sflag:s10] =	ssyncset.done $0x0  }
0x21: {  	[sflag:s10] =	ssyncadd.s32 $0xFFFFF000  }
.LBB2_1:
0x22: {  	[tilespmem:s2], [sflag:$0x3] =	stream.linear.gather [hbm4b:s4+s2], $0x800, $0x38;
	[tilespmem:$0xF480] =	vst v63  }
0x23: {  	_ =	swait.ge [sflag:s10], $0x800  }
0x24: {  	[sflag:s10] =	ssyncset.done $0x0  }
0x25: {  	s23 =	simm.s32 $0x800;
	[sflag:s10] =	ssyncadd.s32 $0xFFFFF800  }
0x26: {  	[tilespmem:s23], [sflag:$0x3] =	stream.strided.gather [hbm4b:s5+s11], $0x6400, s12, s11, $0x38;
	[tilespmem:$0xF480] =	vst v63  }
0x27: {  	_ =	swait.ge [sflag:s10], $0x6400  }
0x28: {  	[sflag:s10] =	ssyncset.done $0x0  }
0x29: {  	s24 =	simm.s32 $0xB20;
	[sflag:s10] =	ssyncadd.s32 $0xFFFF9C00  }
0x2a: {  	[tilespmem:s14], [sflag:$0x1] =	stream.indirect.gather [hbm4b:s3+s13], $0x80, s2, s13, $0xb8;
	[tilespmem:$0xF480] =	vst v63  }
0x2b: {  	s25 =	simm.s32 $0xE40;
	s26 =	simm.s32 $0x1160;
	s28 =	simm.s32 $0x0  }
0x2c: {  	[tilespmem:s15], [sflag:$0x2] =	stream.indirect.gather [hbm4b:s3+s13], $0x80, s11, s13, $0xb8;
	[tilespmem:$0xF480] =	vst v63  }
.LBB2_2:
0x2d: {  	v4 =	vmov s23;
	_ =	swait.ge [sflag:s16], $0x3200  }
0x2e: {  	[sflag:s16] =	ssyncset.done $0x0  }
0x2f: {  	s29 =	simm.s32 $0x6C40;
	[sflag:s16] =	ssyncadd.s32 $0xFFFFCE00  }
0x30: {  	v0 =	vld [tilespmem:s29+$0x30]  }
0x31: {  	s0 =	simm.s32 $0x0;
	v2 =	vld [tilespmem:s29+$0xFFFFFFC0]  }
0x32: {  	v1 =	vld.idx.msk [tilespmem:v4+s0+$0x0 ss:$0x1], $0xffff  }
0x33: {  	v3 =	vld [tilespmem:s29+$0xFFFFFFD0];
	_ =	sdelay $0x1  }
0x34: {  	v13 =	vld [tilespmem:s29+$0xFFFFFFE0]  }
0x35: {  	v5 =	vimm.f32 $0.0e+00;
	v9 =	vimm.f32 $0.0e+00;
	v14 =	vld [tilespmem:s29+$0xFFFFFFF0]  }
0x36: {  	v6 =	vimm.f32 $0.0e+00;
	v7 =	vimm.f32 $0.0e+00;
	v12 =	vld [tilespmem:s29+$0x0];
	v0 =	vmul.f32 v0, v1  }
0x37: {  	v8 =	vimm.f32 $0.0e+00;
	v10 =	vld [tilespmem:s29+$0x10];
	v16 =	vmul.f32 v2, v1;
	v15 =	vmul.f32 v3, v1  }
0x38: {  	s31 =	simm.s32 $0x10;
	s30 =	simm.s32 $0x80;
	v11 =	vld [tilespmem:s29+$0x20];
	v3 =	vimm.f32 $0.0e+00;
	v2 =	vimm.f32 $0.0e+00;
	v0 =	vadd.f32 v0, v5  }
.LBB2_3:
0x39: {  	p0 =	sne.s32 s30, $0xC40;
	v17 =	vld.idx.msk [tilespmem:v4+s31+$0x0 ss:$0x1], $0xffff;
	v5 =	vadd.f32 v16, v5;
	v13 =	vmul.f32 v13, v1;
	s29 =	sadd.s32 $0x80, s29  }
0x3a: {  	v16 =	vld [tilespmem:s29+$0x30];
	v9 =	vadd.f32 v15, v9;
	v14 =	vmul.f32 v14, v1  }
0x3b: {  	v15 =	vld [tilespmem:s29+$0xFFFFFFC0];
	v6 =	vadd.f32 v13, v6;
	v12 =	vmul.f32 v12, v1  }
0x3c: {  	v18 =	vld [tilespmem:s29+$0xFFFFFFD0];
	v7 =	vadd.f32 v14, v7;
	v10 =	vmul.f32 v10, v1  }
.Ltmp2:
0x3d: {  	v13 =	vld [tilespmem:s29+$0xFFFFFFE0];
	v8 =	vadd.f32 v12, v8;
	v11 =	vmul.f32 v11, v1;
	(pc) =	sbr.rel @p0 .LBB2_3-.Ltmp2, $4  }
0x3e: {  	v14 =	vld [tilespmem:s29+$0xFFFFFFF0];
	v3 =	vadd.f32 v10, v3  }
0x3f: {  	v1 =	vmov v17;
	v12 =	vld [tilespmem:s29+$0x0];
	v19 =	vmul.f32 v16, v17;
	v2 =	vadd.f32 v11, v2  }
0x40: {  	v16 =	vmul.f32 v15, v1;
	v10 =	vld [tilespmem:s29+$0x10]  }
0x41: {  	s31 =	sshra.s32 s30, $0x2;
	s30 =	sadd.s32 $0x40, s30;
	v15 =	vmul.f32 v18, v1;
	v11 =	vld [tilespmem:s29+$0x20];
	v0 =	vadd.f32 v19, v0  }
0x42: {  	_ =	sdelay $0x3  }
0x43: {  	v4 =	vld.idx.msk [tilespmem:v4+s31+$0x0 ss:$0x1], $0xffff;
	s0 =	sadd.s32 $0x80, s29  }
0x44: {  	v17 =	vld [tilespmem:s0+$0xFFFFFFC0]  }
0x45: {  	v18 =	vld [tilespmem:s0+$0xFFFFFFD0]  }
0x46: {  	v5 =	vadd.f32 v16, v5;
	v16 =	vld [tilespmem:s0+$0x0]  }
0x47: {  	v13 =	vmul.f32 v13, v1;
	v19 =	vld [tilespmem:s0+$0xFFFFFFE0];
	v14 =	vmul.f32 v14, v1  }
0x48: {  	v20 =	vld [tilespmem:s0+$0xFFFFFFF0];
	v9 =	vadd.f32 v15, v9;
	v12 =	vmul.f32 v12, v1  }
0x49: {  	v6 =	vadd.f32 v13, v6;
	v7 =	vadd.f32 v14, v7;
	v14 =	vld [tilespmem:s0+$0x20];
	v15 =	vmul.f32 v17, v4  }
0x4a: {  	v10 =	vmul.f32 v10, v1;
	v8 =	vadd.f32 v12, v8;
	v17 =	vld [tilespmem:s0+$0x10];
	v13 =	vmul.f32 v18, v4  }
0x4b: {  	v12 =	vld [tilespmem:s0+$0x30];
	v1 =	vmul.f32 v11, v1;
	s0 =	sshll.u32 s28, $0x9;
	v11 =	vmul.f32 v16, v4;
	v5 =	vadd.f32 v15, v5  }
0x4c: {  	s29 =	sand.u32 $0x3FFFFE00, s0;
	v15 =	vmul.f32 v19, v4;
	v9 =	vadd.f32 v13, v9  }
0x4d: {  	v1 =	vadd.f32 v1, v2;
	v13 =	vmul.f32 v20, v4;
	v2 =	vadd.f32 v11, v8;
	[tilespmem:s29+$0xD400] =	vst v5  }
0x4e: {  	v8 =	vmul.f32 v14, v4;
	v6 =	vadd.f32 v15, v6;
	[tilespmem:s29+$0xD410] =	vst v9  }
0x4f: {  	v3 =	vadd.f32 v10, v3;
	v5 =	vadd.f32 v13, v7;
	[tilespmem:s29+$0xD440] =	vst v2;
	v7 =	vmul.f32 v17, v4  }
0x50: {  	v1 =	vadd.f32 v8, v1;
	v4 =	vmul.f32 v12, v4;
	[tilespmem:s29+$0xD420] =	vst v6  }
0x51: {  	[tilespmem:s29+$0xD430] =	vst v5;
	v6 =	vadd.f32 v7, v3  }
0x52: {  	[tilespmem:s29+$0xD460] =	vst v1;
	v3 =	vmov s24;
	v0 =	vadd.f32 v4, v0  }
0x53: {  	[tilespmem:s29+$0xD450] =	vst v6  }
0x54: {  	s30 =	simm.s32 $0x8570;
	[tilespmem:s29+$0xD470] =	vst v0  }
0x55: {  	v0 =	vld [tilespmem:s30+$0x0]  }
0x56: {  	s0 =	simm.s32 $0x0;
	v2 =	vld [tilespmem:s30+$0xFFFFFF90]  }
0x57: {  	v1 =	vld.idx.msk [tilespmem:v3+s0+$0x0 ss:$0x1], $0xffff  }
0x58: {  	v4 =	vld [tilespmem:s30+$0xFFFFFFA0];
	_ =	sdelay $0x1  }
0x59: {  	v13 =	vld [tilespmem:s30+$0xFFFFFFB0]  }
0x5a: {  	v9 =	vimm.f32 $0.0e+00;
	v8 =	vimm.f32 $0.0e+00;
	v14 =	vld [tilespmem:s30+$0xFFFFFFC0]  }
0x5b: {  	v5 =	vimm.f32 $0.0e+00;
	v7 =	vimm.f32 $0.0e+00;
	v12 =	vld [tilespmem:s30+$0xFFFFFFD0];
	v0 =	vmul.f32 v0, v1  }
0x5c: {  	v6 =	vimm.f32 $0.0e+00;
	v10 =	vld [tilespmem:s30+$0xFFFFFFE0];
	v16 =	vmul.f32 v2, v1;
	v15 =	vmul.f32 v4, v1  }
0x5d: {  	s31 =	simm.s32 $0x80;
	v11 =	vld [tilespmem:s30+$0xFFFFFFF0];
	s0 =	simm.s32 $0x10;
	v4 =	vimm.f32 $0.0e+00;
	v2 =	vimm.f32 $0.0e+00;
	v0 =	vadd.f32 v0, v5  }
.LBB2_5:
0x5e: {  	p0 =	sne.s32 s31, $0xC40;
	v17 =	vld.idx.msk [tilespmem:v3+s0+$0x0 ss:$0x1], $0xffff;
	v5 =	vadd.f32 v16, v5;
	v13 =	vmul.f32 v13, v1;
	s30 =	sadd.s32 $0x80, s30  }
0x5f: {  	v16 =	vld [tilespmem:s30+$0x0];
	v9 =	vadd.f32 v15, v9;
	v14 =	vmul.f32 v14, v1  }
0x60: {  	v15 =	vld [tilespmem:s30+$0xFFFFFF90];
	v6 =	vadd.f32 v13, v6;
	v12 =	vmul.f32 v12, v1  }
0x61: {  	v18 =	vld [tilespmem:s30+$0xFFFFFFA0];
	v7 =	vadd.f32 v14, v7;
	v10 =	vmul.f32 v10, v1  }
.Ltmp3:
0x62: {  	v13 =	vld [tilespmem:s30+$0xFFFFFFB0];
	v8 =	vadd.f32 v12, v8;
	v11 =	vmul.f32 v11, v1;
	(pc) =	sbr.rel @p0 .LBB2_5-.Ltmp3, $4  }
0x63: {  	v14 =	vld [tilespmem:s30+$0xFFFFFFC0];
	v4 =	vadd.f32 v10, v4  }
0x64: {  	v1 =	vmov v17;
	v12 =	vld [tilespmem:s30+$0xFFFFFFD0];
	v19 =	vmul.f32 v16, v17;
	v2 =	vadd.f32 v11, v2  }
0x65: {  	v16 =	vmul.f32 v15, v1;
	v10 =	vld [tilespmem:s30+$0xFFFFFFE0]  }
0x66: {  	s0 =	sshra.s32 s31, $0x2;
	s31 =	sadd.s32 $0x40, s31;
	v15 =	vmul.f32 v18, v1;
	v11 =	vld [tilespmem:s30+$0xFFFFFFF0];
	v0 =	vadd.f32 v19, v0  }
0x67: {  	_ =	sdelay $0x3  }
0x68: {  	v3 =	vld.idx.msk [tilespmem:v3+s0+$0x0 ss:$0x1], $0xffff;
	s0 =	sadd.s32 $0x80, s30  }
0x69: {  	v17 =	vld [tilespmem:s0+$0xFFFFFF90]  }
0x6a: {  	v18 =	vld [tilespmem:s0+$0xFFFFFFA0]  }
0x6b: {  	v5 =	vadd.f32 v16, v5;
	v16 =	vld [tilespmem:s0+$0xFFFFFFD0]  }
0x6c: {  	v13 =	vmul.f32 v13, v1;
	v19 =	vld [tilespmem:s0+$0xFFFFFFB0];
	v14 =	vmul.f32 v14, v1  }
0x6d: {  	v20 =	vld [tilespmem:s0+$0xFFFFFFC0];
	v9 =	vadd.f32 v15, v9;
	v12 =	vmul.f32 v12, v1  }
0x6e: {  	v6 =	vadd.f32 v13, v6;
	v7 =	vadd.f32 v14, v7;
	v14 =	vld [tilespmem:s0+$0xFFFFFFF0];
	v15 =	vmul.f32 v17, v3  }
0x6f: {  	v10 =	vmul.f32 v10, v1;
	v8 =	vadd.f32 v12, v8;
	v17 =	vld [tilespmem:s0+$0xFFFFFFE0];
	v13 =	vmul.f32 v18, v3  }
0x70: {  	v12 =	vld [tilespmem:s0+$0x0];
	v1 =	vmul.f32 v11, v1;
	v11 =	vmul.f32 v16, v3;
	v5 =	vadd.f32 v15, v5  }
0x71: {  	v15 =	vmul.f32 v19, v3;
	v9 =	vadd.f32 v13, v9  }
0x72: {  	v1 =	vadd.f32 v1, v2;
	v13 =	vmul.f32 v20, v3;
	v2 =	vadd.f32 v11, v8;
	[tilespmem:s29+$0xD480] =	vst v5  }
0x73: {  	v8 =	vmul.f32 v14, v3;
	v6 =	vadd.f32 v15, v6;
	[tilespmem:s29+$0xD490] =	vst v9  }
0x74: {  	v4 =	vadd.f32 v10, v4;
	v5 =	vadd.f32 v13, v7;
	[tilespmem:s29+$0xD4C0] =	vst v2;
	v7 =	vmul.f32 v17, v3  }
0x75: {  	v1 =	vadd.f32 v8, v1;
	v3 =	vmul.f32 v12, v3;
	[tilespmem:s29+$0xD4A0] =	vst v6  }
0x76: {  	p0 =	seq.s32 s28, $0x7;
	[tilespmem:s29+$0xD4B0] =	vst v5;
	v4 =	vadd.f32 v7, v4  }
0x77: {  	s0 =	sshll.u32 @!p0 s28, $0x8;
	[tilespmem:s29+$0xD4E0] =	vst v1;
	v0 =	vadd.f32 v3, v0  }
0x78: {  	s0 =	sand.u32 @!p0 $0x3FFFFF00, s0;
	[tilespmem:s29+$0xD4D0] =	vst v4  }
0x79: {  	s30 =	simm.s32 @!p0 $0x6C00;
	s0 =	sadd.s32 @!p0 $0x100, s0;
	[tilespmem:s29+$0xD4F0] =	vst v0;
	s29 =	simm.s32 @!p0 $0x64;
	v4 =	vmov s25  }
0x7a: {  	[tilespmem:s30], [sflag:$0x1] =	stream.indirect.gather @!p0 [hbm4b:s3+s29], $0x80, s0, s29, $0xb8;
	[tilespmem:$0xF480] =	vst v63  }
0x7b: {  	_ =	swait.ge [sflag:s17], $0x3200  }
0x7c: {  	[sflag:s17] =	ssyncset.done $0x0  }
0x7d: {  	s0 =	simm.s32 $0x0;
	[sflag:s17] =	ssyncadd.s32 $0xFFFFCE00  }
0x7e: {  	s30 =	simm.s32 $0xA040;
	v1 =	vld.idx.msk [tilespmem:v4+s0+$0x0 ss:$0x1], $0xffff  }
0x7f: {  	v0 =	vld [tilespmem:s30+$0x30]  }
0x80: {  	v2 =	vld [tilespmem:s30+$0xFFFFFFC0]  }
0x81: {  	v3 =	vld [tilespmem:s30+$0xFFFFFFD0];
	_ =	sdelay $0x1  }
0x82: {  	v13 =	vld [tilespmem:s30+$0xFFFFFFE0]  }
0x83: {  	v9 =	vimm.f32 $0.0e+00;
	v8 =	vimm.f32 $0.0e+00;
	v14 =	vld [tilespmem:s30+$0xFFFFFFF0]  }
0x84: {  	v5 =	vimm.f32 $0.0e+00;
	v6 =	vimm.f32 $0.0e+00;
	v12 =	vld [tilespmem:s30+$0x0];
	v0 =	vmul.f32 v0, v1  }
0x85: {  	v7 =	vimm.f32 $0.0e+00;
	v10 =	vld [tilespmem:s30+$0x10];
	v16 =	vmul.f32 v2, v1;
	v15 =	vmul.f32 v3, v1  }
0x86: {  	s31 =	simm.s32 $0x80;
	s29 =	sshllo.u32 s28, $0x1;
	s0 =	simm.s32 $0x10;
	v11 =	vld [tilespmem:s30+$0x20];
	v3 =	vimm.f32 $0.0e+00;
	v2 =	vimm.f32 $0.0e+00;
	v0 =	vadd.f32 v0, v5  }
.LBB2_7:
0x87: {  	p1 =	sne.s32 s31, $0xC40;
	v17 =	vld.idx.msk [tilespmem:v4+s0+$0x0 ss:$0x1], $0xffff;
	v5 =	vadd.f32 v16, v5;
	v13 =	vmul.f32 v13, v1;
	s30 =	sadd.s32 $0x80, s30  }
0x88: {  	v16 =	vld [tilespmem:s30+$0x30];
	v9 =	vadd.f32 v15, v9;
	v14 =	vmul.f32 v14, v1  }
0x89: {  	v15 =	vld [tilespmem:s30+$0xFFFFFFC0];
	v6 =	vadd.f32 v13, v6;
	v12 =	vmul.f32 v12, v1  }
0x8a: {  	v18 =	vld [tilespmem:s30+$0xFFFFFFD0];
	v7 =	vadd.f32 v14, v7;
	v10 =	vmul.f32 v10, v1  }
.Ltmp4:
0x8b: {  	v13 =	vld [tilespmem:s30+$0xFFFFFFE0];
	v8 =	vadd.f32 v12, v8;
	v11 =	vmul.f32 v11, v1;
	(pc) =	sbr.rel @p1 .LBB2_7-.Ltmp4, $4  }
0x8c: {  	v14 =	vld [tilespmem:s30+$0xFFFFFFF0];
	v3 =	vadd.f32 v10, v3  }
0x8d: {  	v1 =	vmov v17;
	v12 =	vld [tilespmem:s30+$0x0];
	v19 =	vmul.f32 v16, v17;
	v2 =	vadd.f32 v11, v2  }
0x8e: {  	v16 =	vmul.f32 v15, v1;
	v10 =	vld [tilespmem:s30+$0x10]  }
0x8f: {  	s0 =	sshra.s32 s31, $0x2;
	s31 =	sadd.s32 $0x40, s31;
	v15 =	vmul.f32 v18, v1;
	v11 =	vld [tilespmem:s30+$0x20];
	v0 =	vadd.f32 v19, v0  }
0x90: {  	_ =	sdelay $0x3  }
0x91: {  	v4 =	vld.idx.msk [tilespmem:v4+s0+$0x0 ss:$0x1], $0xffff;
	s0 =	sadd.s32 $0x80, s30  }
0x92: {  	v17 =	vld [tilespmem:s0+$0xFFFFFFC0]  }
0x93: {  	v18 =	vld [tilespmem:s0+$0xFFFFFFD0]  }
0x94: {  	v5 =	vadd.f32 v16, v5;
	v16 =	vld [tilespmem:s0+$0x0]  }
0x95: {  	v13 =	vmul.f32 v13, v1;
	v19 =	vld [tilespmem:s0+$0xFFFFFFE0];
	v14 =	vmul.f32 v14, v1  }
0x96: {  	v20 =	vld [tilespmem:s0+$0xFFFFFFF0];
	v9 =	vadd.f32 v15, v9;
	v12 =	vmul.f32 v12, v1  }
0x97: {  	v6 =	vadd.f32 v13, v6;
	v7 =	vadd.f32 v14, v7;
	v14 =	vld [tilespmem:s0+$0x20];
	v15 =	vmul.f32 v17, v4  }
0x98: {  	v10 =	vmul.f32 v10, v1;
	v8 =	vadd.f32 v12, v8;
	v17 =	vld [tilespmem:s0+$0x10];
	v13 =	vmul.f32 v18, v4  }
0x99: {  	v12 =	vld [tilespmem:s0+$0x30];
	v1 =	vmul.f32 v11, v1;
	s0 =	sshll.u32 s29, $0x8;
	v11 =	vmul.f32 v16, v4;
	v5 =	vadd.f32 v15, v5  }
0x9a: {  	s29 =	sand.u32 $0x3FFFFF00, s0;
	v15 =	vmul.f32 v19, v4;
	v9 =	vadd.f32 v13, v9  }
0x9b: {  	v1 =	vadd.f32 v1, v2;
	v13 =	vmul.f32 v20, v4;
	v2 =	vadd.f32 v11, v8;
	[tilespmem:s29+$0xD400] =	vst v5  }
0x9c: {  	v8 =	vmul.f32 v14, v4;
	v6 =	vadd.f32 v15, v6;
	[tilespmem:s29+$0xD410] =	vst v9  }
0x9d: {  	v3 =	vadd.f32 v10, v3;
	v5 =	vadd.f32 v13, v7;
	[tilespmem:s29+$0xD440] =	vst v2;
	v7 =	vmul.f32 v17, v4  }
0x9e: {  	v1 =	vadd.f32 v8, v1;
	v4 =	vmul.f32 v12, v4;
	[tilespmem:s29+$0xD420] =	vst v6  }
0x9f: {  	[tilespmem:s29+$0xD430] =	vst v5;
	v6 =	vadd.f32 v7, v3  }
0xa0: {  	[tilespmem:s29+$0xD460] =	vst v1;
	v3 =	vmov s26;
	v0 =	vadd.f32 v4, v0  }
0xa1: {  	[tilespmem:s29+$0xD450] =	vst v6  }
0xa2: {  	s30 =	simm.s32 $0xB970;
	[tilespmem:s29+$0xD470] =	vst v0  }
0xa3: {  	v0 =	vld [tilespmem:s30+$0x0]  }
0xa4: {  	s0 =	simm.s32 $0x0;
	v2 =	vld [tilespmem:s30+$0xFFFFFF90]  }
0xa5: {  	v1 =	vld.idx.msk [tilespmem:v3+s0+$0x0 ss:$0x1], $0xffff  }
0xa6: {  	v4 =	vld [tilespmem:s30+$0xFFFFFFA0];
	_ =	sdelay $0x1  }
0xa7: {  	v13 =	vld [tilespmem:s30+$0xFFFFFFB0]  }
0xa8: {  	v9 =	vimm.f32 $0.0e+00;
	v8 =	vimm.f32 $0.0e+00;
	v14 =	vld [tilespmem:s30+$0xFFFFFFC0]  }
0xa9: {  	v5 =	vimm.f32 $0.0e+00;
	v7 =	vimm.f32 $0.0e+00;
	v12 =	vld [tilespmem:s30+$0xFFFFFFD0];
	v0 =	vmul.f32 v0, v1  }
0xaa: {  	v6 =	vimm.f32 $0.0e+00;
	v10 =	vld [tilespmem:s30+$0xFFFFFFE0];
	v16 =	vmul.f32 v2, v1;
	v15 =	vmul.f32 v4, v1  }
0xab: {  	s31 =	simm.s32 $0x80;
	v11 =	vld [tilespmem:s30+$0xFFFFFFF0];
	s0 =	simm.s32 $0x10;
	v4 =	vimm.f32 $0.0e+00;
	v2 =	vimm.f32 $0.0e+00;
	v0 =	vadd.f32 v0, v5  }
.LBB2_9:
0xac: {  	p1 =	sne.s32 s31, $0xC40;
	v17 =	vld.idx.msk [tilespmem:v3+s0+$0x0 ss:$0x1], $0xffff;
	v5 =	vadd.f32 v16, v5;
	v13 =	vmul.f32 v13, v1;
	s30 =	sadd.s32 $0x80, s30  }
0xad: {  	v16 =	vld [tilespmem:s30+$0x0];
	v9 =	vadd.f32 v15, v9;
	v14 =	vmul.f32 v14, v1  }
0xae: {  	v15 =	vld [tilespmem:s30+$0xFFFFFF90];
	v6 =	vadd.f32 v13, v6;
	v12 =	vmul.f32 v12, v1  }
0xaf: {  	v18 =	vld [tilespmem:s30+$0xFFFFFFA0];
	v7 =	vadd.f32 v14, v7;
	v10 =	vmul.f32 v10, v1  }
.Ltmp5:
0xb0: {  	v13 =	vld [tilespmem:s30+$0xFFFFFFB0];
	v8 =	vadd.f32 v12, v8;
	v11 =	vmul.f32 v11, v1;
	(pc) =	sbr.rel @p1 .LBB2_9-.Ltmp5, $4  }
0xb1: {  	v14 =	vld [tilespmem:s30+$0xFFFFFFC0];
	v4 =	vadd.f32 v10, v4  }
0xb2: {  	v1 =	vmov v17;
	v12 =	vld [tilespmem:s30+$0xFFFFFFD0];
	v19 =	vmul.f32 v16, v17;
	v2 =	vadd.f32 v11, v2  }
0xb3: {  	v16 =	vmul.f32 v15, v1;
	v10 =	vld [tilespmem:s30+$0xFFFFFFE0]  }
0xb4: {  	s0 =	sshra.s32 s31, $0x2;
	s31 =	sadd.s32 $0x40, s31;
	v15 =	vmul.f32 v18, v1;
	v11 =	vld [tilespmem:s30+$0xFFFFFFF0];
	v0 =	vadd.f32 v19, v0  }
0xb5: {  	_ =	sdelay $0x3  }
0xb6: {  	v3 =	vld.idx.msk [tilespmem:v3+s0+$0x0 ss:$0x1], $0xffff;
	s31 =	sadd.s32 $0x80, s30  }
0xb7: {  	v17 =	vld [tilespmem:s31+$0xFFFFFF90]  }
0xb8: {  	v18 =	vld [tilespmem:s31+$0xFFFFFFA0]  }
0xb9: {  	v19 =	vld [tilespmem:s31+$0xFFFFFFB0]  }
0xba: {  	v20 =	vld [tilespmem:s31+$0xFFFFFFC0]  }
0xbb: {  	v5 =	vadd.f32 v16, v5;
	v13 =	vmul.f32 v13, v1;
	v14 =	vmul.f32 v14, v1;
	v50 =	vld [tilespmem:s31+$0xFFFFFFD0]  }
0xbc: {  	v9 =	vadd.f32 v15, v9;
	v52 =	vld [tilespmem:s31+$0xFFFFFFE0];
	v12 =	vmul.f32 v12, v1;
	v51 =	vmul.f32 v17, v3  }
0xbd: {  	v54 =	vld [tilespmem:s31+$0xFFFFFFF0];
	v6 =	vadd.f32 v13, v6;
	v7 =	vadd.f32 v14, v7;
	v53 =	vmul.f32 v18, v3  }
0xbe: {  	v55 =	vld [tilespmem:s31+$0x0];
	v10 =	vmul.f32 v10, v1;
	v56 =	vmul.f32 v19, v3;
	v5 =	vadd.f32 v51, v5  }
0xbf: {  	v8 =	vadd.f32 v12, v8;
	v57 =	vmul.f32 v20, v3;
	v9 =	vadd.f32 v53, v9  }
0xc0: {  	v58 =	vmul.f32 v11, v1;
	v59 =	vmul.f32 v50, v3;
	v6 =	vadd.f32 v56, v6;
	[tilespmem:s29+$0xD480] =	vst v5  }
0xc1: {  	v4 =	vadd.f32 v10, v4;
	v61 =	vmul.f32 v52, v3;
	v60 =	vadd.f32 v57, v7;
	[tilespmem:s29+$0xD490] =	vst v9  }
0xc2: {  	v1 =	vadd.f32 v58, v2;
	v63 =	vmul.f32 v54, v3;
	v62 =	vadd.f32 v59, v8;
	[tilespmem:s29+$0xD4A0] =	vst v6  }
.Ltmp6:
0xc3: {  	v3 =	vmul.f32 v55, v3;
	v4 =	vadd.f32 v61, v4;
	[tilespmem:s29+$0xD4B0] =	vst v60;
	(pc) =	sbr.rel @p0 .LBB2_12-.Ltmp6, $4  }
0xc4: {  	v1 =	vadd.f32 v63, v1;
	[tilespmem:s29+$0xD4C0] =	vst v62  }
0xc5: {  	v0 =	vadd.f32 v3, v0;
	[tilespmem:s29+$0xD4D0] =	vst v4  }
0xc6: {  	[tilespmem:s29+$0xD4E0] =	vst v1  }
0xc7: {  	[tilespmem:s29+$0xD4F0] =	vst v0  }
.Ltmp7:
0xc8: {  	(pc) =	sbr.rel .LBB2_2-.Ltmp7, $4  }
0xc9: {  	s0 =	sshll.u32 s28, $0x8;
	s28 =	sadd.s32 $0x1, s28  }
0xca: {  	s23 =	sadd.s32 $0xC80, s23;
	s24 =	sadd.s32 $0xC80, s24;
	s0 =	sand.u32 $0x3FFFFF00, s0  }
0xcb: {  	s25 =	sadd.s32 $0xC80, s25;
	s26 =	sadd.s32 $0xC80, s26;
	s0 =	sadd.s32 $0x180, s0  }
0xcc: {  	[tilespmem:s15], [sflag:$0x2] =	stream.indirect.gather [hbm4b:s3+s13], $0x80, s0, s13, $0xb8;
	[tilespmem:$0xF480] =	vst v63  }
.LBB2_13:
0xcd: {  	_ =	sfence.sel $0x180000  }
0xce: {  	[bflag:$0x0] =	sbarrier.arrive $0xFFFF  }
0xcf: {  	_ =	strace $0x90000047  }
0xd0: {  	[bflag:$0x2] =	sbarrier.arrive $0xFFFF  }
0xd1: {  	p0 =	sne.s32 s1, $0x0;
	s0 =	rddreg [dreg:$0x1]  }
0xd2: {  	s0 =	sadd.s32 @!p0 $0x100000, s0  }
0xd3: {  	[sflag:s0] =	ssyncadd.tile.s32 @!p0 $0x1;
	_ =	shalt  }
.Lfunc_end2:
_tile_overlayer_lowered:
.L_overlay_start_2:
0xd4: {  	(tag) =	ssettag $0x2  }
0xd5: {  	s0 =	rddreg [dreg:$0x0];
	s2 =	stileid.u32  }
0xd6: {  	s1 =	rddreg [dreg:$0x1];
	p0 =	sne.s32 s2, $0x0  }
0xd7: {  	s3 =	rddreg [dreg:$0x2];
	[bflag:$0x3] =	sbarrier.arrive $0xFFFF;
	s2 =	simm.s32 @!p0 $0x1C03  }
0xd8: {  	[timem:s3], [sflag:s2] =	dma.local @!p0 [hbm:s0], s1  }
0xd9: {  	s0 =	simm.s32 @!p0 $0x3  }
0xda: {  	_ =	swait.ge @!p0 [sflag:s0], s1  }
0xdb: {  	s1 =	ssub.s32 @!p0 $0x0, s1;
	[sflag:s0] =	ssyncset.done @!p0 $0x0  }
0xdc: {  	[sflag:s0] =	ssyncadd.s32 @!p0 s1  }
0xdd: {  	[bflag:$0x3] =	sbarrier.arrive $0xFFFF  }
0xde: {  	_ =	shalt  }

</sc_bundles>
